<compile_context>
chip_gen: v7x
topology: tpu7x:2x2x1
jax: 0.10.2.dev20260603
libtpu: 0.0.44.dev20260713+nightly
codegen_flags: <defaults>
</compile_context>

<pallas_src>
import jax
import jax.numpy as jnp
from jax import lax
from jax.experimental import pallas as pl
from jax.experimental.pallas import tpu as pltpu
from jax.experimental.pallas import tpu_sc as plsc

N_NODES = 10000
N_EDGES = 160000
D_FEAT = 256

NC, NS, L = 2, 16, 16
NW = NC * NS
NPAD = 10240
NODES_PT = NPAD // NS

EHALF = N_EDGES // NC
EH = 4992
EXH = EHALF - NS * EH
EV = 4992
EXT = 256
EXT0 = NW * EV


def _rowsum_body(x_ref, o_ref):
    o_ref[...] = jnp.dot(x_ref[...], jnp.ones((D_FEAT,), jnp.float32),
                         preferred_element_type=jnp.float32)


def _rsqrt16(d):
    bits = lax.bitcast_convert_type(d, jnp.int32)
    y = lax.bitcast_convert_type(jnp.int32(0x5F3759DF) - (bits >> 1), jnp.float32)
    hd = 0.5 * d
    for _ in range(3):
        y = y * (1.5 - hd * y * y)
    return jnp.where(d > 0.5, y, 0.0)


def _copy_row(src2d, row, dst, n):
    @plsc.parallel_loop(0, n // L, 1, unroll=8)
    def cp(i):
        sl = pl.ds(i * L, L)
        dst[sl] = src2d[row, sl]


def _sc_hist_body(ei, degh,
                  ei2_v, eix_v, toh_v, tox_v, ones_v, zero_v,
                  hist_sh, sem5, sem6):
    c = lax.axis_index("c")
    s = lax.axis_index("s")
    node0 = s * NODES_PT
    baseh = c * EHALF + s * EH
    last_s = s == NS - 1

    with jax.named_scope("phA"):
        cph = pltpu.async_copy(ei.at[:, pl.ds(baseh, EH)], ei2_v, sem5)

        @pl.when(last_s)
        def _():
            cpx = pltpu.async_copy(
                ei.at[:, pl.ds(c * EHALF + NS * EH, EXH)], eix_v, sem6)

        @plsc.parallel_loop(0, EH // L, 1, unroll=4)
        def ob(i):
            ones_v[pl.ds(i * L, L)] = jnp.ones((L,), jnp.float32)

        @plsc.parallel_loop(0, NODES_PT // L, 1, unroll=4)
        def zb(i):
            zero_v[pl.ds(i * L, L)] = jnp.zeros((L,), jnp.float32)
        pltpu.sync_copy(zero_v, hist_sh.at[pl.ds(node0, NODES_PT)])
        cph.wait()
        _copy_row(ei2_v, 1, toh_v, EH)

        @pl.when(last_s)
        def _():
            pltpu.make_async_copy(
                ei.at[:, pl.ds(c * EHALF + NS * EH, EXH)], eix_v, sem6).wait()
            _copy_row(eix_v, 1, tox_v, EXH)
        plsc.subcore_barrier()

    with jax.named_scope("phB"):
        pltpu.sync_copy(ones_v, hist_sh.at[toh_v], add=True)

        @pl.when(last_s)
        def _():
            pltpu.sync_copy(ones_v.at[pl.ds(0, EXH)], hist_sh.at[tox_v], add=True)
        plsc.subcore_barrier()

    with jax.named_scope("phW"):
        pltpu.sync_copy(hist_sh.at[pl.ds(node0, NODES_PT)],
                        degh.at[pl.ds(c * NPAD + node0, NODES_PT)])


def _sc_prop_body(rowsum, ei, degh, out,
                  ei2_v, eix_v, from_v, to_v, fx_v, tx_v,
                  sf_v, dt_v, outb_v, sfx_v, dtx_v, outx_v,
                  deg0_v, deg1_v, dis_v, s_v, rs_v,
                  dis_sh, s_sh, sem1, sem2, sem3, sem4, sem5):
    c = lax.axis_index("c")
    s = lax.axis_index("s")
    w = c * NS + s
    node0 = s * NODES_PT
    base = w * EV
    last_w = w == NW - 1

    with jax.named_scope("phC"):
        cpe = pltpu.async_copy(ei.at[:, pl.ds(base, EV)], ei2_v, sem3)
        cpr = pltpu.async_copy(rowsum.at[pl.ds(node0, NODES_PT)], rs_v, sem4)

        @pl.when(last_w)
        def _():
            cpx = pltpu.async_copy(ei.at[:, pl.ds(EXT0, EXT)], eix_v, sem5)
        cpd = pltpu.async_copy(degh.at[pl.ds(node0, NODES_PT)], deg0_v, sem1)
        pltpu.sync_copy(degh.at[pl.ds(NPAD + node0, NODES_PT)], deg1_v)
        cpd.wait()

        @plsc.parallel_loop(0, NODES_PT // L, 1, unroll=4)
        def db(i):
            sl = pl.ds(i * L, L)
            dis_v[sl] = _rsqrt16(deg0_v[sl] + deg1_v[sl])
        pltpu.sync_copy(dis_v, dis_sh.at[pl.ds(node0, NODES_PT)])
        plsc.subcore_barrier()
        cpe.wait()
        _copy_row(ei2_v, 1, to_v, EV)
        cp2 = pltpu.async_copy(dis_sh.at[to_v], dt_v, sem2)
        _copy_row(ei2_v, 0, from_v, EV)
        cpr.wait()

        @plsc.parallel_loop(0, NODES_PT // L, 1, unroll=4)
        def cb(i):
            sl = pl.ds(i * L, L)
            s_v[sl] = dis_v[sl] * rs_v[sl]
        pltpu.sync_copy(s_v, s_sh.at[pl.ds(node0, NODES_PT)])

        @pl.when(last_w)
        def _():
            pltpu.make_async_copy(ei.at[:, pl.ds(EXT0, EXT)], eix_v, sem5).wait()
            _copy_row(eix_v, 0, fx_v, EXT)
            _copy_row(eix_v, 1, tx_v, EXT)
        plsc.subcore_barrier()

    with jax.named_scope("phD"):
        EVA = 2560
        EVB = EV - EVA
        cp1a = pltpu.async_copy(s_sh.at[from_v.at[pl.ds(0, EVA)]],
                                sf_v.at[pl.ds(0, EVA)], sem1)
        cp1b = pltpu.async_copy(s_sh.at[from_v.at[pl.ds(EVA, EVB)]],
                                sf_v.at[pl.ds(EVA, EVB)], sem3)

        @pl.when(last_w)
        def _():
            cp3 = pltpu.async_copy(s_sh.at[fx_v], sfx_v, sem5)
            cp4 = pltpu.async_copy(dis_sh.at[tx_v], dtx_v, sem4)
        cp2.wait()
        cp1a.wait()

        @plsc.parallel_loop(0, EVA // L, 1, unroll=4)
        def eba(i):
            sl = pl.ds(i * L, L)
            outb_v[sl] = sf_v[sl] * dt_v[sl]
        cpoa = pltpu.async_copy(outb_v.at[pl.ds(0, EVA)],
                                out.at[pl.ds(base, EVA)], sem2)
        cp1b.wait()

        @plsc.parallel_loop(0, EVB // L, 1, unroll=4)
        def ebb(i):
            sl = pl.ds(EVA + i * L, L)
            outb_v[sl] = sf_v[sl] * dt_v[sl]
        pltpu.sync_copy(outb_v.at[pl.ds(EVA, EVB)], out.at[pl.ds(base + EVA, EVB)])
        cpoa.wait()

        @pl.when(last_w)
        def _():
            pltpu.make_async_copy(s_sh.at[fx_v], sfx_v, sem5).wait()
            pltpu.make_async_copy(dis_sh.at[tx_v], dtx_v, sem4).wait()

            @plsc.parallel_loop(0, EXT // L, 1, unroll=4)
            def ex(i):
                sl = pl.ds(i * L, L)
                outx_v[sl] = sfx_v[sl] * dtx_v[sl]
            pltpu.sync_copy(outx_v, out.at[pl.ds(EXT0, EXT)])


def kernel(x, edge_index):
    x = x.astype(jnp.float32)
    ei = edge_index.astype(jnp.int32)

    mesh = plsc.VectorSubcoreMesh(core_axis_name="c", subcore_axis_name="s")
    sc_hist = pl.kernel(
        _sc_hist_body,
        out_type=jax.ShapeDtypeStruct((NC * NPAD,), jnp.float32),
        mesh=mesh,
        scratch_types=[
            pltpu.VMEM((2, EH), jnp.int32),
            pltpu.VMEM((2, EXH), jnp.int32),
            pltpu.VMEM((EH,), jnp.int32),
            pltpu.VMEM((EXH,), jnp.int32),
            pltpu.VMEM((EH,), jnp.float32),
            pltpu.VMEM((NODES_PT,), jnp.float32),
            pltpu.VMEM_SHARED((NPAD,), jnp.float32),
            pltpu.SemaphoreType.DMA,
            pltpu.SemaphoreType.DMA,
        ],
    )
    degh = sc_hist(ei)

    rowsum1d = pl.pallas_call(
        _rowsum_body,
        grid=(NPAD // 5120,),
        in_specs=[pl.BlockSpec((5120, D_FEAT), lambda i: (i, 0))],
        out_specs=pl.BlockSpec((5120,), lambda i: (i,)),
        out_shape=jax.ShapeDtypeStruct((NPAD,), jnp.float32),
    )(x)

    sc_prop = pl.kernel(
        _sc_prop_body,
        out_type=jax.ShapeDtypeStruct((N_EDGES,), jnp.float32),
        mesh=mesh,
        scratch_types=[
            pltpu.VMEM((2, EV), jnp.int32),
            pltpu.VMEM((2, EXT), jnp.int32),
            pltpu.VMEM((EV,), jnp.int32),
            pltpu.VMEM((EV,), jnp.int32),
            pltpu.VMEM((EXT,), jnp.int32),
            pltpu.VMEM((EXT,), jnp.int32),
            pltpu.VMEM((EV,), jnp.float32),
            pltpu.VMEM((EV,), jnp.float32),
            pltpu.VMEM((EV,), jnp.float32),
            pltpu.VMEM((EXT,), jnp.float32),
            pltpu.VMEM((EXT,), jnp.float32),
            pltpu.VMEM((EXT,), jnp.float32),
            pltpu.VMEM((NODES_PT,), jnp.float32),
            pltpu.VMEM((NODES_PT,), jnp.float32),
            pltpu.VMEM((NODES_PT,), jnp.float32),
            pltpu.VMEM((NODES_PT,), jnp.float32),
            pltpu.VMEM((NODES_PT,), jnp.float32),
            pltpu.VMEM_SHARED((NPAD,), jnp.float32),
            pltpu.VMEM_SHARED((NPAD,), jnp.float32),
            pltpu.SemaphoreType.DMA,
            pltpu.SemaphoreType.DMA,
            pltpu.SemaphoreType.DMA,
            pltpu.SemaphoreType.DMA,
            pltpu.SemaphoreType.DMA,
        ],
    )
    return sc_prop(rowsum1d, ei, degh)

# --- scband reference (transcript-rebuilt; emitter-appended) ---
"""Pipeline reference for scband-light-gcnconv-10436770529610 (READ-ONLY COPY).

The authoritative reference and input builder live on the scoring server;
editing this copy changes nothing except your own understanding.
"""

import jax, jax.numpy as jnp
import numpy as np

N_NODES = 10000
N_EDGES = 160000
D_FEAT = 256


def setup_inputs(seed: int = 0) -> dict:
    key = jax.random.key(seed)
    k1, k2 = jax.random.split(key)
    x = jax.random.normal(k1, (N_NODES, D_FEAT), dtype=jnp.float32)
    edge_index = jax.random.randint(k2, (2, N_EDGES), 0, N_NODES)
    return {"x": x, "edge_index": edge_index}


def reference(x, edge_index):
    from_ = edge_index[0]
    to_ = edge_index[1]
    n = x.shape[0]
    # degree of destination nodes (torch.bincount equivalent; length fixed for jit)
    deg = jnp.bincount(to_, length=n).astype(x.dtype)
    deg_inv_sqrt = jnp.where(deg > 0, deg ** -0.5, 0.0)
    norm = deg_inv_sqrt[from_] * deg_inv_sqrt[to_]
    # propagate: per-edge normalized gather of source features, reduced over feature dim
    msg = norm[:, None] * jnp.take(x, from_, axis=0)
    ones = jnp.ones((x.shape[1],), dtype=x.dtype)
    return jnp.matmul(msg, ones)

if __name__ == "__main__":
    import jax
    _d = setup_inputs()
    print(jax.jit(kernel)(*tuple(_d.values())))

</pallas_src>

<mosaic_0001>
#map = affine_map<(d0, d1) -> (0, 0)>
#map1 = affine_map<(d0, d1) -> (0)>
module attributes {stable_mosaic.version = 14 : i64} {
  func.func @_sc_hist_body(%arg0: i32, %arg1: i32, %arg2: memref<2x160000xi32, #tpu.memory_space<hbm>>, %arg3: memref<20480xf32, #tpu.memory_space<hbm>>, %arg4: memref<2x4992xi32, #tpu.memory_space<vmem>>, %arg5: memref<2x128xi32, #tpu.memory_space<vmem>>, %arg6: memref<4992xi32, #tpu.memory_space<vmem>>, %arg7: memref<128xi32, #tpu.memory_space<vmem>>, %arg8: memref<4992xf32, #tpu.memory_space<vmem>>, %arg9: memref<640xf32, #tpu.memory_space<vmem>>, %arg10: memref<10240xf32, #tpu.memory_space<vmem_shared>>, %arg11: memref<!tpu.dma_semaphore, #tpu.memory_space<semaphore_mem>>, %arg12: memref<!tpu.dma_semaphore, #tpu.memory_space<semaphore_mem>>) attributes {dimension_semantics = [#tpu.dimension_semantics<core_parallel>, #tpu.dimension_semantics<subcore_parallel>], iteration_bounds = array<i64: 2, 16>, scalar_prefetch = 0 : i64, scratch_operands = 9 : i64, tpu.core_type = #tpu.core_type<sc_vector_subcore>, window_params = [{transform_indices = #map}, {transform_indices = #map1}]} {
    %mul3A = arith.constant 640 : i32
    %mul3A_0 = arith.muli %arg1, %mul3A : i32
    %mul3A_1 = arith.constant 80000 : i32
    %mul3A_2 = arith.muli %arg0, %mul3A_1 : i32
    %mul3A_3 = arith.constant 4992 : i32
    %mul3A_4 = arith.muli %arg1, %mul3A_3 : i32
    %add3A = arith.addi %mul3A_2, %mul3A_4 : i32
    %eq3A = arith.constant 15 : i32
    %eq3A_5 = arith.cmpi eq, %arg1, %eq3A : i32
    "tpu.trace_start"() <{level = 10 : i32, message = "phA"}> : () -> ()
    %dma_start3A = arith.constant 0 : i32
    %dma_start3A_6 = tpu.memref_slice %arg2[%dma_start3A, %add3A] : memref<2x160000xi32, #tpu.memory_space<hbm>> -> memref<2x4992xi32, #tpu.memory_space<hbm>>
    %dma_start3A_7 = arith.constant 0 : i32
    %dma_start3A_8 = tpu.memref_slice %arg2[%dma_start3A_7, %add3A] : memref<2x160000xi32, #tpu.memory_space<hbm>> -> memref<2x4992xi32, #tpu.memory_space<hbm>>
    tpu.enqueue_dma source(%dma_start3A_8 : memref<2x4992xi32, #tpu.memory_space<hbm>>) target(%arg4 : memref<2x4992xi32, #tpu.memory_space<vmem>>) target_semaphore(%arg11 : memref<!tpu.dma_semaphore, #tpu.memory_space<semaphore_mem>>)
    %convert_element_type3A = arith.extui %eq3A_5 : i1 to i32
    %cond3A = arith.constant 0 : i32
    %cond3A_9 = arith.cmpi ne, %convert_element_type3A, %cond3A : i32
    scf.if %cond3A_9 {
      %mul3A_31 = arith.constant 80000 : i32
      %mul3A_32 = arith.muli %arg0, %mul3A_31 : i32
      %add3A_33 = arith.constant 79872 : i32
      %add3A_34 = arith.addi %mul3A_32, %add3A_33 : i32
      %dma_start3A_35 = arith.constant 0 : i32
      %dma_start3A_36 = tpu.memref_slice %arg2[%dma_start3A_35, %add3A_34] : memref<2x160000xi32, #tpu.memory_space<hbm>> -> memref<2x128xi32, #tpu.memory_space<hbm>>
      %dma_start3A_37 = arith.constant 0 : i32
      %dma_start3A_38 = tpu.memref_slice %arg2[%dma_start3A_37, %add3A_34] : memref<2x160000xi32, #tpu.memory_space<hbm>> -> memref<2x128xi32, #tpu.memory_space<hbm>>
      tpu.enqueue_dma source(%dma_start3A_38 : memref<2x128xi32, #tpu.memory_space<hbm>>) target(%arg5 : memref<2x128xi32, #tpu.memory_space<vmem>>) target_semaphore(%arg12 : memref<!tpu.dma_semaphore, #tpu.memory_space<semaphore_mem>>)
    } else {
    }
    %parallel_loop3A = arith.constant 0 : i32
    %parallel_loop3A_10 = arith.constant 312 : i32
    %parallel_loop3A_11 = arith.constant 1 : i32
    scf.for %parallel_loop3A_31 = %parallel_loop3A to %parallel_loop3A_10 step %parallel_loop3A_11  : i32 {
      %parallel_loop3A_32 = arith.constant 1.000000e+00 : f32
      %parallel_loop3A_33 = vector.broadcast %parallel_loop3A_32 : f32 to vector<16xf32>
      %parallel_loop3A_34 = arith.constant 16 : i32
      %parallel_loop3A_35 = arith.muli %parallel_loop3A_31, %parallel_loop3A_34 : i32
      %parallel_loop3A_36 = arith.index_cast %parallel_loop3A_35 : i32 to index
      %parallel_loop3A_37 = tpu.vector_load %arg8[%parallel_loop3A_36] {strides = array<i32>} : memref<4992xf32, #tpu.memory_space<vmem>>, vector<16xf32>,
      %parallel_loop3A_38 = vector.shape_cast %parallel_loop3A_37 : vector<16xf32> to vector<16xf32>
      %parallel_loop3A_39 = vector.shape_cast %parallel_loop3A_33 : vector<16xf32> to vector<16xf32>
      tpu.vector_store %arg8[%parallel_loop3A_36], %parallel_loop3A_39 {strides = array<i32>} : memref<4992xf32, #tpu.memory_space<vmem>>, vector<16xf32>,
    } {sc.loop_unroll_factor = 4 : i64, sc.parallel_access}
    %parallel_loop3A_12 = arith.constant 0 : i32
    %parallel_loop3A_13 = arith.constant 40 : i32
    %parallel_loop3A_14 = arith.constant 1 : i32
    scf.for %parallel_loop3A_31 = %parallel_loop3A_12 to %parallel_loop3A_13 step %parallel_loop3A_14  : i32 {
      %parallel_loop3A_32 = arith.constant 0.000000e+00 : f32
      %parallel_loop3A_33 = vector.broadcast %parallel_loop3A_32 : f32 to vector<16xf32>
      %parallel_loop3A_34 = arith.constant 16 : i32
      %parallel_loop3A_35 = arith.muli %parallel_loop3A_31, %parallel_loop3A_34 : i32
      %parallel_loop3A_36 = arith.index_cast %parallel_loop3A_35 : i32 to index
      %parallel_loop3A_37 = tpu.vector_load %arg9[%parallel_loop3A_36] {strides = array<i32>} : memref<640xf32, #tpu.memory_space<vmem>>, vector<16xf32>,
      %parallel_loop3A_38 = vector.shape_cast %parallel_loop3A_37 : vector<16xf32> to vector<16xf32>
      %parallel_loop3A_39 = vector.shape_cast %parallel_loop3A_33 : vector<16xf32> to vector<16xf32>
      tpu.vector_store %arg9[%parallel_loop3A_36], %parallel_loop3A_39 {strides = array<i32>} : memref<640xf32, #tpu.memory_space<vmem>>, vector<16xf32>,
    } {sc.loop_unroll_factor = 4 : i64, sc.parallel_access}
    "tpu.region"() ({
      %run_scoped3A = tpu.sem_alloc : memref<!tpu.dma_semaphore, #tpu.memory_space<semaphore_mem>>
      %dma_start3A_31 = tpu.memref_slice %arg10[%mul3A_0] : memref<10240xf32, #tpu.memory_space<vmem_shared>> -> memref<640xf32, #tpu.memory_space<vmem_shared>>
      %dma_start3A_32 = tpu.memref_slice %arg10[%mul3A_0] : memref<10240xf32, #tpu.memory_space<vmem_shared>> -> memref<640xf32, #tpu.memory_space<vmem_shared>>
      tpu.enqueue_dma source(%arg9 : memref<640xf32, #tpu.memory_space<vmem>>) target(%dma_start3A_32 : memref<640xf32, #tpu.memory_space<vmem_shared>>) target_semaphore(%run_scoped3A : memref<!tpu.dma_semaphore, #tpu.memory_space<semaphore_mem>>)
      %dma_wait3A_33 = tpu.memref_slice %arg10[%mul3A_0] : memref<10240xf32, #tpu.memory_space<vmem_shared>> -> memref<640xf32, #tpu.memory_space<vmem_shared>>
      %dma_wait3A_34 = tpu.memref_slice %arg10[%mul3A_0] : memref<10240xf32, #tpu.memory_space<vmem_shared>> -> memref<640xf32, #tpu.memory_space<vmem_shared>>
      tpu.wait_dma2 semaphore(%run_scoped3A : memref<!tpu.dma_semaphore, #tpu.memory_space<semaphore_mem>>) src(%arg9 : memref<640xf32, #tpu.memory_space<vmem>>) dst(%dma_wait3A_34 : memref<640xf32, #tpu.memory_space<vmem_shared>>)
      tpu.yield
    }) : () -> ()
    %dma_wait3A = arith.constant 0 : i32
    %dma_wait3A_15 = tpu.memref_slice %arg2[%dma_wait3A, %add3A] : memref<2x160000xi32, #tpu.memory_space<hbm>> -> memref<2x4992xi32, #tpu.memory_space<hbm>>
    %dma_wait3A_16 = arith.constant 0 : i32
    %dma_wait3A_17 = tpu.memref_slice %arg2[%dma_wait3A_16, %add3A] : memref<2x160000xi32, #tpu.memory_space<hbm>> -> memref<2x4992xi32, #tpu.memory_space<hbm>>
    tpu.wait_dma2 semaphore(%arg11 : memref<!tpu.dma_semaphore, #tpu.memory_space<semaphore_mem>>) src(%dma_wait3A_17 : memref<2x4992xi32, #tpu.memory_space<hbm>>) dst(%arg4 : memref<2x4992xi32, #tpu.memory_space<vmem>>)
    %parallel_loop3A_18 = arith.constant 0 : i32
    %parallel_loop3A_19 = arith.constant 312 : i32
    %parallel_loop3A_20 = arith.constant 1 : i32
    scf.for %parallel_loop3A_31 = %parallel_loop3A_18 to %parallel_loop3A_19 step %parallel_loop3A_20  : i32 {
      %parallel_loop3A_32 = arith.constant 16 : i32
      %parallel_loop3A_33 = arith.muli %parallel_loop3A_31, %parallel_loop3A_32 : i32
      %parallel_loop3A_34 = arith.constant 1 : i32
      %parallel_loop3A_35 = arith.index_cast %parallel_loop3A_34 : i32 to index
      %parallel_loop3A_36 = arith.index_cast %parallel_loop3A_33 : i32 to index
      %parallel_loop3A_37 = tpu.vector_load %arg4[%parallel_loop3A_35, %parallel_loop3A_36] {strides = array<i32>} : memref<2x4992xi32, #tpu.memory_space<vmem>>, vector<1x16xi32>,
      %parallel_loop3A_38 = vector.shape_cast %parallel_loop3A_37 : vector<1x16xi32> to vector<16xi32>
      %parallel_loop3A_39 = arith.index_cast %parallel_loop3A_33 : i32 to index
      %parallel_loop3A_40 = tpu.vector_load %arg6[%parallel_loop3A_39] {strides = array<i32>} : memref<4992xi32, #tpu.memory_space<vmem>>, vector<16xi32>,
      %parallel_loop3A_41 = vector.shape_cast %parallel_loop3A_40 : vector<16xi32> to vector<16xi32>
      %parallel_loop3A_42 = vector.shape_cast %parallel_loop3A_38 : vector<16xi32> to vector<16xi32>
      tpu.vector_store %arg6[%parallel_loop3A_39], %parallel_loop3A_42 {strides = array<i32>} : memref<4992xi32, #tpu.memory_space<vmem>>, vector<16xi32>,
    } {sc.loop_unroll_factor = 8 : i64, sc.parallel_access}
    %convert_element_type3A_21 = arith.extui %eq3A_5 : i1 to i32
    %cond3A_22 = arith.constant 0 : i32
    %cond3A_23 = arith.cmpi ne, %convert_element_type3A_21, %cond3A_22 : i32
    scf.if %cond3A_23 {
      %mul3A_31 = arith.constant 80000 : i32
      %mul3A_32 = arith.muli %arg0, %mul3A_31 : i32
      %add3A_33 = arith.constant 79872 : i32
      %add3A_34 = arith.addi %mul3A_32, %add3A_33 : i32
      %dma_wait3A_35 = arith.constant 0 : i32
      %dma_wait3A_36 = tpu.memref_slice %arg2[%dma_wait3A_35, %add3A_34] : memref<2x160000xi32, #tpu.memory_space<hbm>> -> memref<2x128xi32, #tpu.memory_space<hbm>>
      %dma_wait3A_37 = arith.constant 0 : i32
      %dma_wait3A_38 = tpu.memref_slice %arg2[%dma_wait3A_37, %add3A_34] : memref<2x160000xi32, #tpu.memory_space<hbm>> -> memref<2x128xi32, #tpu.memory_space<hbm>>
      tpu.wait_dma2 semaphore(%arg12 : memref<!tpu.dma_semaphore, #tpu.memory_space<semaphore_mem>>) src(%dma_wait3A_38 : memref<2x128xi32, #tpu.memory_space<hbm>>) dst(%arg5 : memref<2x128xi32, #tpu.memory_space<vmem>>)
      %parallel_loop3A_39 = arith.constant 0 : i32
      %parallel_loop3A_40 = arith.constant 8 : i32
      %parallel_loop3A_41 = arith.constant 1 : i32
      scf.for %parallel_loop3A_42 = %parallel_loop3A_39 to %parallel_loop3A_40 step %parallel_loop3A_41  : i32 {
        %parallel_loop3A_43 = arith.constant 16 : i32
        %parallel_loop3A_44 = arith.muli %parallel_loop3A_42, %parallel_loop3A_43 : i32
        %parallel_loop3A_45 = arith.constant 1 : i32
        %parallel_loop3A_46 = arith.index_cast %parallel_loop3A_45 : i32 to index
        %parallel_loop3A_47 = arith.index_cast %parallel_loop3A_44 : i32 to index
        %parallel_loop3A_48 = tpu.vector_load %arg5[%parallel_loop3A_46, %parallel_loop3A_47] {strides = array<i32>} : memref<2x128xi32, #tpu.memory_space<vmem>>, vector<1x16xi32>,
        %parallel_loop3A_49 = vector.shape_cast %parallel_loop3A_48 : vector<1x16xi32> to vector<16xi32>
        %parallel_loop3A_50 = arith.index_cast %parallel_loop3A_44 : i32 to index
        %parallel_loop3A_51 = tpu.vector_load %arg7[%parallel_loop3A_50] {strides = array<i32>} : memref<128xi32, #tpu.memory_space<vmem>>, vector<16xi32>,
        %parallel_loop3A_52 = vector.shape_cast %parallel_loop3A_51 : vector<16xi32> to vector<16xi32>
        %parallel_loop3A_53 = vector.shape_cast %parallel_loop3A_49 : vector<16xi32> to vector<16xi32>
        tpu.vector_store %arg7[%parallel_loop3A_50], %parallel_loop3A_53 {strides = array<i32>} : memref<128xi32, #tpu.memory_space<vmem>>, vector<16xi32>,
      } {sc.loop_unroll_factor = 8 : i64, sc.parallel_access}
    } else {
    }
    %barrier3A = arith.constant 0 : index
    tpu.barrier barrier_id(%barrier3A)
    "tpu.trace_stop"() : () -> ()
    "tpu.trace_start"() <{level = 10 : i32, message = "phB"}> : () -> ()
    "tpu.region"() ({
      %run_scoped3A = tpu.sem_alloc : memref<!tpu.dma_semaphore, #tpu.memory_space<semaphore_mem>>
      %dma_start3A_31 = arith.constant 0 : i32
      %dma_start3A_32 = tpu.memref_slice %arg10[%dma_start3A_31] : memref<10240xf32, #tpu.memory_space<vmem_shared>> -> memref<10240xf32, #tpu.memory_space<vmem_shared>>
      tpu.enqueue_indirect_dma source(%arg8 : memref<4992xf32, #tpu.memory_space<vmem>>) target(%dma_start3A_32 : memref<10240xf32, #tpu.memory_space<vmem_shared>>) offsets(%arg6 : memref<4992xi32, #tpu.memory_space<vmem>>) semaphore(%run_scoped3A : memref<!tpu.dma_semaphore, #tpu.memory_space<semaphore_mem>>) {add = true}
      %dma_wait3A_33 = arith.constant 0 : i32
      %dma_wait3A_34 = tpu.memref_slice %arg10[%dma_wait3A_33] : memref<10240xf32, #tpu.memory_space<vmem_shared>> -> memref<10240xf32, #tpu.memory_space<vmem_shared>>
      tpu.wait_indirect_dma semaphore(%run_scoped3A : memref<!tpu.dma_semaphore, #tpu.memory_space<semaphore_mem>>) src(%arg8 : memref<4992xf32, #tpu.memory_space<vmem>>) dst(%dma_wait3A_34 : memref<10240xf32, #tpu.memory_space<vmem_shared>>)
      tpu.yield
    }) : () -> ()
    %convert_element_type3A_24 = arith.extui %eq3A_5 : i1 to i32
    %cond3A_25 = arith.constant 0 : i32
    %cond3A_26 = arith.cmpi ne, %convert_element_type3A_24, %cond3A_25 : i32
    scf.if %cond3A_26 {
      "tpu.region"() ({
        %run_scoped3A = tpu.sem_alloc : memref<!tpu.dma_semaphore, #tpu.memory_space<semaphore_mem>>
        %dma_start3A_31 = arith.constant 0 : i32
        %dma_start3A_32 = tpu.memref_slice %arg8[%dma_start3A_31] : memref<4992xf32, #tpu.memory_space<vmem>> -> memref<128xf32, #tpu.memory_space<vmem>>
        %dma_start3A_33 = arith.constant 0 : i32
        %dma_start3A_34 = tpu.memref_slice %arg10[%dma_start3A_33] : memref<10240xf32, #tpu.memory_space<vmem_shared>> -> memref<10240xf32, #tpu.memory_space<vmem_shared>>
        tpu.enqueue_indirect_dma source(%dma_start3A_32 : memref<128xf32, #tpu.memory_space<vmem>>) target(%dma_start3A_34 : memref<10240xf32, #tpu.memory_space<vmem_shared>>) offsets(%arg7 : memref<128xi32, #tpu.memory_space<vmem>>) semaphore(%run_scoped3A : memref<!tpu.dma_semaphore, #tpu.memory_space<semaphore_mem>>) {add = true}
        %dma_wait3A_35 = arith.constant 0 : i32
        %dma_wait3A_36 = tpu.memref_slice %arg8[%dma_wait3A_35] : memref<4992xf32, #tpu.memory_space<vmem>> -> memref<128xf32, #tpu.memory_space<vmem>>
        %dma_wait3A_37 = arith.constant 0 : i32
        %dma_wait3A_38 = tpu.memref_slice %arg10[%dma_wait3A_37] : memref<10240xf32, #tpu.memory_space<vmem_shared>> -> memref<10240xf32, #tpu.memory_space<vmem_shared>>
        tpu.wait_indirect_dma semaphore(%run_scoped3A : memref<!tpu.dma_semaphore, #tpu.memory_space<semaphore_mem>>) src(%dma_wait3A_36 : memref<128xf32, #tpu.memory_space<vmem>>) dst(%dma_wait3A_38 : memref<10240xf32, #tpu.memory_space<vmem_shared>>)
        tpu.yield
      }) : () -> ()
    } else {
    }
    %barrier3A_27 = arith.constant 0 : index
    tpu.barrier barrier_id(%barrier3A_27)
    "tpu.trace_stop"() : () -> ()
    "tpu.trace_start"() <{level = 10 : i32, message = "phW"}> : () -> ()
    %mul3A_28 = arith.constant 10240 : i32
    %mul3A_29 = arith.muli %arg0, %mul3A_28 : i32
    %add3A_30 = arith.addi %mul3A_29, %mul3A_0 : i32
    "tpu.region"() ({
      %run_scoped3A = tpu.sem_alloc : memref<!tpu.dma_semaphore, #tpu.memory_space<semaphore_mem>>
      %dma_start3A_31 = tpu.memref_slice %arg3[%add3A_30] : memref<20480xf32, #tpu.memory_space<hbm>> -> memref<640xf32, #tpu.memory_space<hbm>>
      %dma_start3A_32 = tpu.memref_slice %arg10[%mul3A_0] : memref<10240xf32, #tpu.memory_space<vmem_shared>> -> memref<640xf32, #tpu.memory_space<vmem_shared>>
      tpu.enqueue_dma source(%dma_start3A_32 : memref<640xf32, #tpu.memory_space<vmem_shared>>) target(%dma_start3A_31 : memref<640xf32, #tpu.memory_space<hbm>>) target_semaphore(%run_scoped3A : memref<!tpu.dma_semaphore, #tpu.memory_space<semaphore_mem>>)
      %dma_wait3A_33 = tpu.memref_slice %arg3[%add3A_30] : memref<20480xf32, #tpu.memory_space<hbm>> -> memref<640xf32, #tpu.memory_space<hbm>>
      %dma_wait3A_34 = tpu.memref_slice %arg10[%mul3A_0] : memref<10240xf32, #tpu.memory_space<vmem_shared>> -> memref<640xf32, #tpu.memory_space<vmem_shared>>
      tpu.wait_dma2 semaphore(%run_scoped3A : memref<!tpu.dma_semaphore, #tpu.memory_space<semaphore_mem>>) src(%dma_wait3A_34 : memref<640xf32, #tpu.memory_space<vmem_shared>>) dst(%dma_wait3A_33 : memref<640xf32, #tpu.memory_space<hbm>>)
      tpu.yield
    }) : () -> ()
    "tpu.trace_stop"() : () -> ()
    return
  }
}

#map = affine_map<(d0, d1) -> (0)>
#map1 = affine_map<(d0, d1) -> (0, 0)>
module attributes {stable_mosaic.version = 14 : i64} {
  func.func @_sc_prop_body(%arg0: i32, %arg1: i32, %arg2: memref<10240xf32, #tpu.memory_space<hbm>>, %arg3: memref<2x160000xi32, #tpu.memory_space<hbm>>, %arg4: memref<20480xf32, #tpu.memory_space<hbm>>, %arg5: memref<160000xf32, #tpu.memory_space<hbm>>, %arg6: memref<2x4992xi32, #tpu.memory_space<vmem>>, %arg7: memref<2x256xi32, #tpu.memory_space<vmem>>, %arg8: memref<4992xi32, #tpu.memory_space<vmem>>, %arg9: memref<4992xi32, #tpu.memory_space<vmem>>, %arg10: memref<256xi32, #tpu.memory_space<vmem>>, %arg11: memref<256xi32, #tpu.memory_space<vmem>>, %arg12: memref<4992xf32, #tpu.memory_space<vmem>>, %arg13: memref<4992xf32, #tpu.memory_space<vmem>>, %arg14: memref<4992xf32, #tpu.memory_space<vmem>>, %arg15: memref<256xf32, #tpu.memory_space<vmem>>, %arg16: memref<256xf32, #tpu.memory_space<vmem>>, %arg17: memref<256xf32, #tpu.memory_space<vmem>>, %arg18: memref<640xf32, #tpu.memory_space<vmem>>, %arg19: memref<640xf32, #tpu.memory_space<vmem>>, %arg20: memref<640xf32, #tpu.memory_space<vmem>>, %arg21: memref<640xf32, #tpu.memory_space<vmem>>, %arg22: memref<640xf32, #tpu.memory_space<vmem>>, %arg23: memref<10240xf32, #tpu.memory_space<vmem_shared>>, %arg24: memref<10240xf32, #tpu.memory_space<vmem_shared>>, %arg25: memref<!tpu.dma_semaphore, #tpu.memory_space<semaphore_mem>>, %arg26: memref<!tpu.dma_semaphore, #tpu.memory_space<semaphore_mem>>, %arg27: memref<!tpu.dma_semaphore, #tpu.memory_space<semaphore_mem>>, %arg28: memref<!tpu.dma_semaphore, #tpu.memory_space<semaphore_mem>>, %arg29: memref<!tpu.dma_semaphore, #tpu.memory_space<semaphore_mem>>) attributes {dimension_semantics = [#tpu.dimension_semantics<core_parallel>, #tpu.dimension_semantics<subcore_parallel>], iteration_bounds = array<i64: 2, 16>, scalar_prefetch = 0 : i64, scratch_operands = 24 : i64, tpu.core_type = #tpu.core_type<sc_vector_subcore>, window_params = [{transform_indices = #map}, {transform_indices = #map1}, {transform_indices = #map}, {transform_indices = #map}]} {
    %mul3A = arith.constant 16 : i32
    %mul3A_0 = arith.muli %arg0, %mul3A : i32
    %add3A = arith.addi %mul3A_0, %arg1 : i32
    %mul3A_1 = arith.constant 640 : i32
    %mul3A_2 = arith.muli %arg1, %mul3A_1 : i32
    %mul3A_3 = arith.constant 4992 : i32
    %mul3A_4 = arith.muli %add3A, %mul3A_3 : i32
    %eq3A = arith.constant 31 : i32
    %eq3A_5 = arith.cmpi eq, %add3A, %eq3A : i32
    "tpu.trace_start"() <{level = 10 : i32, message = "phC"}> : () -> ()
    %dma_start3A = arith.constant 0 : i32
    %dma_start3A_6 = tpu.memref_slice %arg3[%dma_start3A, %mul3A_4] : memref<2x160000xi32, #tpu.memory_space<hbm>> -> memref<2x4992xi32, #tpu.memory_space<hbm>>
    %dma_start3A_7 = arith.constant 0 : i32
    %dma_start3A_8 = tpu.memref_slice %arg3[%dma_start3A_7, %mul3A_4] : memref<2x160000xi32, #tpu.memory_space<hbm>> -> memref<2x4992xi32, #tpu.memory_space<hbm>>
    tpu.enqueue_dma source(%dma_start3A_8 : memref<2x4992xi32, #tpu.memory_space<hbm>>) target(%arg6 : memref<2x4992xi32, #tpu.memory_space<vmem>>) target_semaphore(%arg27 : memref<!tpu.dma_semaphore, #tpu.memory_space<semaphore_mem>>)
    %dma_start3A_9 = tpu.memref_slice %arg2[%mul3A_2] : memref<10240xf32, #tpu.memory_space<hbm>> -> memref<640xf32, #tpu.memory_space<hbm>>
    %dma_start3A_10 = tpu.memref_slice %arg2[%mul3A_2] : memref<10240xf32, #tpu.memory_space<hbm>> -> memref<640xf32, #tpu.memory_space<hbm>>
    tpu.enqueue_dma source(%dma_start3A_10 : memref<640xf32, #tpu.memory_space<hbm>>) target(%arg22 : memref<640xf32, #tpu.memory_space<vmem>>) target_semaphore(%arg28 : memref<!tpu.dma_semaphore, #tpu.memory_space<semaphore_mem>>)
    %convert_element_type3A = arith.extui %eq3A_5 : i1 to i32
    %cond3A = arith.constant 0 : i32
    %cond3A_11 = arith.cmpi ne, %convert_element_type3A, %cond3A : i32
    scf.if %cond3A_11 {
      %dma_start3A_92 = arith.constant 0 : i32
      %dma_start3A_93 = arith.constant 159744 : i32
      %dma_start3A_94 = tpu.memref_slice %arg3[%dma_start3A_92, %dma_start3A_93] : memref<2x160000xi32, #tpu.memory_space<hbm>> -> memref<2x256xi32, #tpu.memory_space<hbm>>
      %dma_start3A_95 = arith.constant 0 : i32
      %dma_start3A_96 = arith.constant 159744 : i32
      %dma_start3A_97 = tpu.memref_slice %arg3[%dma_start3A_95, %dma_start3A_96] : memref<2x160000xi32, #tpu.memory_space<hbm>> -> memref<2x256xi32, #tpu.memory_space<hbm>>
      tpu.enqueue_dma source(%dma_start3A_97 : memref<2x256xi32, #tpu.memory_space<hbm>>) target(%arg7 : memref<2x256xi32, #tpu.memory_space<vmem>>) target_semaphore(%arg29 : memref<!tpu.dma_semaphore, #tpu.memory_space<semaphore_mem>>)
    } else {
    }
    %dma_start3A_12 = tpu.memref_slice %arg4[%mul3A_2] : memref<20480xf32, #tpu.memory_space<hbm>> -> memref<640xf32, #tpu.memory_space<hbm>>
    %dma_start3A_13 = tpu.memref_slice %arg4[%mul3A_2] : memref<20480xf32, #tpu.memory_space<hbm>> -> memref<640xf32, #tpu.memory_space<hbm>>
    tpu.enqueue_dma source(%dma_start3A_13 : memref<640xf32, #tpu.memory_space<hbm>>) target(%arg18 : memref<640xf32, #tpu.memory_space<vmem>>) target_semaphore(%arg25 : memref<!tpu.dma_semaphore, #tpu.memory_space<semaphore_mem>>)
    %add3A_14 = arith.constant 10240 : i32
    %add3A_15 = arith.addi %add3A_14, %mul3A_2 : i32
    "tpu.region"() ({
      %run_scoped3A = tpu.sem_alloc : memref<!tpu.dma_semaphore, #tpu.memory_space<semaphore_mem>>
      %dma_start3A_92 = tpu.memref_slice %arg4[%add3A_15] : memref<20480xf32, #tpu.memory_space<hbm>> -> memref<640xf32, #tpu.memory_space<hbm>>
      %dma_start3A_93 = tpu.memref_slice %arg4[%add3A_15] : memref<20480xf32, #tpu.memory_space<hbm>> -> memref<640xf32, #tpu.memory_space<hbm>>
      tpu.enqueue_dma source(%dma_start3A_93 : memref<640xf32, #tpu.memory_space<hbm>>) target(%arg19 : memref<640xf32, #tpu.memory_space<vmem>>) target_semaphore(%run_scoped3A : memref<!tpu.dma_semaphore, #tpu.memory_space<semaphore_mem>>)
      %dma_wait3A_94 = tpu.memref_slice %arg4[%add3A_15] : memref<20480xf32, #tpu.memory_space<hbm>> -> memref<640xf32, #tpu.memory_space<hbm>>
      %dma_wait3A_95 = tpu.memref_slice %arg4[%add3A_15] : memref<20480xf32, #tpu.memory_space<hbm>> -> memref<640xf32, #tpu.memory_space<hbm>>
      tpu.wait_dma2 semaphore(%run_scoped3A : memref<!tpu.dma_semaphore, #tpu.memory_space<semaphore_mem>>) src(%dma_wait3A_95 : memref<640xf32, #tpu.memory_space<hbm>>) dst(%arg19 : memref<640xf32, #tpu.memory_space<vmem>>)
      tpu.yield
    }) : () -> ()
    %dma_wait3A = tpu.memref_slice %arg4[%mul3A_2] : memref<20480xf32, #tpu.memory_space<hbm>> -> memref<640xf32, #tpu.memory_space<hbm>>
    %dma_wait3A_16 = tpu.memref_slice %arg4[%mul3A_2] : memref<20480xf32, #tpu.memory_space<hbm>> -> memref<640xf32, #tpu.memory_space<hbm>>
    tpu.wait_dma2 semaphore(%arg25 : memref<!tpu.dma_semaphore, #tpu.memory_space<semaphore_mem>>) src(%dma_wait3A_16 : memref<640xf32, #tpu.memory_space<hbm>>) dst(%arg18 : memref<640xf32, #tpu.memory_space<vmem>>)
    %parallel_loop3A = arith.constant 0 : i32
    %parallel_loop3A_17 = arith.constant 40 : i32
    %parallel_loop3A_18 = arith.constant 1 : i32
    scf.for %parallel_loop3A_92 = %parallel_loop3A to %parallel_loop3A_17 step %parallel_loop3A_18  : i32 {
      %parallel_loop3A_93 = arith.constant 16 : i32
      %parallel_loop3A_94 = arith.muli %parallel_loop3A_92, %parallel_loop3A_93 : i32
      %parallel_loop3A_95 = arith.index_cast %parallel_loop3A_94 : i32 to index
      %parallel_loop3A_96 = tpu.vector_load %arg18[%parallel_loop3A_95] {strides = array<i32>} : memref<640xf32, #tpu.memory_space<vmem>>, vector<16xf32>,
      %parallel_loop3A_97 = vector.shape_cast %parallel_loop3A_96 : vector<16xf32> to vector<16xf32>
      %parallel_loop3A_98 = arith.index_cast %parallel_loop3A_94 : i32 to index
      %parallel_loop3A_99 = tpu.vector_load %arg19[%parallel_loop3A_98] {strides = array<i32>} : memref<640xf32, #tpu.memory_space<vmem>>, vector<16xf32>,
      %parallel_loop3A_100 = vector.shape_cast %parallel_loop3A_99 : vector<16xf32> to vector<16xf32>
      %parallel_loop3A_101 = arith.addf %parallel_loop3A_97, %parallel_loop3A_100 : vector<16xf32>
      %parallel_loop3A_102 = tpu.bitcast %parallel_loop3A_101 : vector<16xf32> -> vector<16xi32>
      %parallel_loop3A_103 = arith.constant 1 : i32
      %parallel_loop3A_104 = vector.broadcast %parallel_loop3A_103 : i32 to vector<16xi32>
      %parallel_loop3A_105 = arith.shrsi %parallel_loop3A_102, %parallel_loop3A_104 : vector<16xi32>
      %parallel_loop3A_106 = arith.constant 1597463007 : i32
      %parallel_loop3A_107 = vector.broadcast %parallel_loop3A_106 : i32 to vector<16xi32>
      %parallel_loop3A_108 = arith.subi %parallel_loop3A_107, %parallel_loop3A_105 : vector<16xi32>
      %parallel_loop3A_109 = tpu.bitcast %parallel_loop3A_108 : vector<16xi32> -> vector<16xf32>
      %parallel_loop3A_110 = arith.constant 5.000000e-01 : f32
      %parallel_loop3A_111 = vector.broadcast %parallel_loop3A_110 : f32 to vector<16xf32>
      %parallel_loop3A_112 = arith.mulf %parallel_loop3A_111, %parallel_loop3A_101 : vector<16xf32>
      %parallel_loop3A_113 = arith.mulf %parallel_loop3A_112, %parallel_loop3A_109 : vector<16xf32>
      %parallel_loop3A_114 = arith.mulf %parallel_loop3A_113, %parallel_loop3A_109 : vector<16xf32>
      %parallel_loop3A_115 = arith.constant 1.500000e+00 : f32
      %parallel_loop3A_116 = vector.broadcast %parallel_loop3A_115 : f32 to vector<16xf32>
      %parallel_loop3A_117 = arith.subf %parallel_loop3A_116, %parallel_loop3A_114 : vector<16xf32>
      %parallel_loop3A_118 = arith.mulf %parallel_loop3A_109, %parallel_loop3A_117 : vector<16xf32>
      %parallel_loop3A_119 = arith.mulf %parallel_loop3A_112, %parallel_loop3A_118 : vector<16xf32>
      %parallel_loop3A_120 = arith.mulf %parallel_loop3A_119, %parallel_loop3A_118 : vector<16xf32>
      %parallel_loop3A_121 = arith.constant 1.500000e+00 : f32
      %parallel_loop3A_122 = vector.broadcast %parallel_loop3A_121 : f32 to vector<16xf32>
      %parallel_loop3A_123 = arith.subf %parallel_loop3A_122, %parallel_loop3A_120 : vector<16xf32>
      %parallel_loop3A_124 = arith.mulf %parallel_loop3A_118, %parallel_loop3A_123 : vector<16xf32>
      %parallel_loop3A_125 = arith.mulf %parallel_loop3A_112, %parallel_loop3A_124 : vector<16xf32>
      %parallel_loop3A_126 = arith.mulf %parallel_loop3A_125, %parallel_loop3A_124 : vector<16xf32>
      %parallel_loop3A_127 = arith.constant 1.500000e+00 : f32
      %parallel_loop3A_128 = vector.broadcast %parallel_loop3A_127 : f32 to vector<16xf32>
      %parallel_loop3A_129 = arith.subf %parallel_loop3A_128, %parallel_loop3A_126 : vector<16xf32>
      %parallel_loop3A_130 = arith.mulf %parallel_loop3A_124, %parallel_loop3A_129 : vector<16xf32>
      %parallel_loop3A_131 = arith.constant 5.000000e-01 : f32
      %parallel_loop3A_132 = vector.broadcast %parallel_loop3A_131 : f32 to vector<16xf32>
      %parallel_loop3A_133 = arith.cmpf ogt, %parallel_loop3A_101, %parallel_loop3A_132 : vector<16xf32>
      %parallel_loop3A_134 = arith.constant 0.000000e+00 : f32
      %parallel_loop3A_135 = vector.broadcast %parallel_loop3A_134 : f32 to vector<16xf32>
      %parallel_loop3A_136 = arith.select %parallel_loop3A_133, %parallel_loop3A_130, %parallel_loop3A_135 : vector<16xi1>, vector<16xf32>
      %parallel_loop3A_137 = arith.index_cast %parallel_loop3A_94 : i32 to index
      %parallel_loop3A_138 = tpu.vector_load %arg20[%parallel_loop3A_137] {strides = array<i32>} : memref<640xf32, #tpu.memory_space<vmem>>, vector<16xf32>,
      %parallel_loop3A_139 = vector.shape_cast %parallel_loop3A_138 : vector<16xf32> to vector<16xf32>
      %parallel_loop3A_140 = vector.shape_cast %parallel_loop3A_136 : vector<16xf32> to vector<16xf32>
      tpu.vector_store %arg20[%parallel_loop3A_137], %parallel_loop3A_140 {strides = array<i32>} : memref<640xf32, #tpu.memory_space<vmem>>, vector<16xf32>,
    } {sc.loop_unroll_factor = 4 : i64, sc.parallel_access}
    "tpu.region"() ({
      %run_scoped3A = tpu.sem_alloc : memref<!tpu.dma_semaphore, #tpu.memory_space<semaphore_mem>>
      %dma_start3A_92 = tpu.memref_slice %arg23[%mul3A_2] : memref<10240xf32, #tpu.memory_space<vmem_shared>> -> memref<640xf32, #tpu.memory_space<vmem_shared>>
      %dma_start3A_93 = tpu.memref_slice %arg23[%mul3A_2] : memref<10240xf32, #tpu.memory_space<vmem_shared>> -> memref<640xf32, #tpu.memory_space<vmem_shared>>
      tpu.enqueue_dma source(%arg20 : memref<640xf32, #tpu.memory_space<vmem>>) target(%dma_start3A_93 : memref<640xf32, #tpu.memory_space<vmem_shared>>) target_semaphore(%run_scoped3A : memref<!tpu.dma_semaphore, #tpu.memory_space<semaphore_mem>>)
      %dma_wait3A_94 = tpu.memref_slice %arg23[%mul3A_2] : memref<10240xf32, #tpu.memory_space<vmem_shared>> -> memref<640xf32, #tpu.memory_space<vmem_shared>>
      %dma_wait3A_95 = tpu.memref_slice %arg23[%mul3A_2] : memref<10240xf32, #tpu.memory_space<vmem_shared>> -> memref<640xf32, #tpu.memory_space<vmem_shared>>
      tpu.wait_dma2 semaphore(%run_scoped3A : memref<!tpu.dma_semaphore, #tpu.memory_space<semaphore_mem>>) src(%arg20 : memref<640xf32, #tpu.memory_space<vmem>>) dst(%dma_wait3A_95 : memref<640xf32, #tpu.memory_space<vmem_shared>>)
      tpu.yield
    }) : () -> ()
    %barrier3A = arith.constant 0 : index
    tpu.barrier barrier_id(%barrier3A)
    %dma_wait3A_19 = arith.constant 0 : i32
    %dma_wait3A_20 = tpu.memref_slice %arg3[%dma_wait3A_19, %mul3A_4] : memref<2x160000xi32, #tpu.memory_space<hbm>> -> memref<2x4992xi32, #tpu.memory_space<hbm>>
    %dma_wait3A_21 = arith.constant 0 : i32
    %dma_wait3A_22 = tpu.memref_slice %arg3[%dma_wait3A_21, %mul3A_4] : memref<2x160000xi32, #tpu.memory_space<hbm>> -> memref<2x4992xi32, #tpu.memory_space<hbm>>
    tpu.wait_dma2 semaphore(%arg27 : memref<!tpu.dma_semaphore, #tpu.memory_space<semaphore_mem>>) src(%dma_wait3A_22 : memref<2x4992xi32, #tpu.memory_space<hbm>>) dst(%arg6 : memref<2x4992xi32, #tpu.memory_space<vmem>>)
    %parallel_loop3A_23 = arith.constant 0 : i32
    %parallel_loop3A_24 = arith.constant 312 : i32
    %parallel_loop3A_25 = arith.constant 1 : i32
    scf.for %parallel_loop3A_92 = %parallel_loop3A_23 to %parallel_loop3A_24 step %parallel_loop3A_25  : i32 {
      %parallel_loop3A_93 = arith.constant 16 : i32
      %parallel_loop3A_94 = arith.muli %parallel_loop3A_92, %parallel_loop3A_93 : i32
      %parallel_loop3A_95 = arith.constant 1 : i32
      %parallel_loop3A_96 = arith.index_cast %parallel_loop3A_95 : i32 to index
      %parallel_loop3A_97 = arith.index_cast %parallel_loop3A_94 : i32 to index
      %parallel_loop3A_98 = tpu.vector_load %arg6[%parallel_loop3A_96, %parallel_loop3A_97] {strides = array<i32>} : memref<2x4992xi32, #tpu.memory_space<vmem>>, vector<1x16xi32>,
      %parallel_loop3A_99 = vector.shape_cast %parallel_loop3A_98 : vector<1x16xi32> to vector<16xi32>
      %parallel_loop3A_100 = arith.index_cast %parallel_loop3A_94 : i32 to index
      %parallel_loop3A_101 = tpu.vector_load %arg9[%parallel_loop3A_100] {strides = array<i32>} : memref<4992xi32, #tpu.memory_space<vmem>>, vector<16xi32>,
      %parallel_loop3A_102 = vector.shape_cast %parallel_loop3A_101 : vector<16xi32> to vector<16xi32>
      %parallel_loop3A_103 = vector.shape_cast %parallel_loop3A_99 : vector<16xi32> to vector<16xi32>
      tpu.vector_store %arg9[%parallel_loop3A_100], %parallel_loop3A_103 {strides = array<i32>} : memref<4992xi32, #tpu.memory_space<vmem>>, vector<16xi32>,
    } {sc.loop_unroll_factor = 8 : i64, sc.parallel_access}
    %dma_start3A_26 = arith.constant 0 : i32
    %dma_start3A_27 = tpu.memref_slice %arg23[%dma_start3A_26] : memref<10240xf32, #tpu.memory_space<vmem_shared>> -> memref<10240xf32, #tpu.memory_space<vmem_shared>>
    tpu.enqueue_indirect_dma source(%dma_start3A_27 : memref<10240xf32, #tpu.memory_space<vmem_shared>>) target(%arg13 : memref<4992xf32, #tpu.memory_space<vmem>>) offsets(%arg9 : memref<4992xi32, #tpu.memory_space<vmem>>) semaphore(%arg26 : memref<!tpu.dma_semaphore, #tpu.memory_space<semaphore_mem>>)
    %parallel_loop3A_28 = arith.constant 0 : i32
    %parallel_loop3A_29 = arith.constant 312 : i32
    %parallel_loop3A_30 = arith.constant 1 : i32
    scf.for %parallel_loop3A_92 = %parallel_loop3A_28 to %parallel_loop3A_29 step %parallel_loop3A_30  : i32 {
      %parallel_loop3A_93 = arith.constant 16 : i32
      %parallel_loop3A_94 = arith.muli %parallel_loop3A_92, %parallel_loop3A_93 : i32
      %parallel_loop3A_95 = arith.constant 0 : i32
      %parallel_loop3A_96 = arith.index_cast %parallel_loop3A_95 : i32 to index
      %parallel_loop3A_97 = arith.index_cast %parallel_loop3A_94 : i32 to index
      %parallel_loop3A_98 = tpu.vector_load %arg6[%parallel_loop3A_96, %parallel_loop3A_97] {strides = array<i32>} : memref<2x4992xi32, #tpu.memory_space<vmem>>, vector<1x16xi32>,
      %parallel_loop3A_99 = vector.shape_cast %parallel_loop3A_98 : vector<1x16xi32> to vector<16xi32>
      %parallel_loop3A_100 = arith.index_cast %parallel_loop3A_94 : i32 to index
      %parallel_loop3A_101 = tpu.vector_load %arg8[%parallel_loop3A_100] {strides = array<i32>} : memref<4992xi32, #tpu.memory_space<vmem>>, vector<16xi32>,
      %parallel_loop3A_102 = vector.shape_cast %parallel_loop3A_101 : vector<16xi32> to vector<16xi32>
      %parallel_loop3A_103 = vector.shape_cast %parallel_loop3A_99 : vector<16xi32> to vector<16xi32>
      tpu.vector_store %arg8[%parallel_loop3A_100], %parallel_loop3A_103 {strides = array<i32>} : memref<4992xi32, #tpu.memory_space<vmem>>, vector<16xi32>,
    } {sc.loop_unroll_factor = 8 : i64, sc.parallel_access}
    %dma_wait3A_31 = tpu.memref_slice %arg2[%mul3A_2] : memref<10240xf32, #tpu.memory_space<hbm>> -> memref<640xf32, #tpu.memory_space<hbm>>
    %dma_wait3A_32 = tpu.memref_slice %arg2[%mul3A_2] : memref<10240xf32, #tpu.memory_space<hbm>> -> memref<640xf32, #tpu.memory_space<hbm>>
    tpu.wait_dma2 semaphore(%arg28 : memref<!tpu.dma_semaphore, #tpu.memory_space<semaphore_mem>>) src(%dma_wait3A_32 : memref<640xf32, #tpu.memory_space<hbm>>) dst(%arg22 : memref<640xf32, #tpu.memory_space<vmem>>)
    %parallel_loop3A_33 = arith.constant 0 : i32
    %parallel_loop3A_34 = arith.constant 40 : i32
    %parallel_loop3A_35 = arith.constant 1 : i32
    scf.for %parallel_loop3A_92 = %parallel_loop3A_33 to %parallel_loop3A_34 step %parallel_loop3A_35  : i32 {
      %parallel_loop3A_93 = arith.constant 16 : i32
      %parallel_loop3A_94 = arith.muli %parallel_loop3A_92, %parallel_loop3A_93 : i32
      %parallel_loop3A_95 = arith.index_cast %parallel_loop3A_94 : i32 to index
      %parallel_loop3A_96 = tpu.vector_load %arg20[%parallel_loop3A_95] {strides = array<i32>} : memref<640xf32, #tpu.memory_space<vmem>>, vector<16xf32>,
      %parallel_loop3A_97 = vector.shape_cast %parallel_loop3A_96 : vector<16xf32> to vector<16xf32>
      %parallel_loop3A_98 = arith.index_cast %parallel_loop3A_94 : i32 to index
      %parallel_loop3A_99 = tpu.vector_load %arg22[%parallel_loop3A_98] {strides = array<i32>} : memref<640xf32, #tpu.memory_space<vmem>>, vector<16xf32>,
      %parallel_loop3A_100 = vector.shape_cast %parallel_loop3A_99 : vector<16xf32> to vector<16xf32>
      %parallel_loop3A_101 = arith.mulf %parallel_loop3A_97, %parallel_loop3A_100 : vector<16xf32>
      %parallel_loop3A_102 = arith.index_cast %parallel_loop3A_94 : i32 to index
      %parallel_loop3A_103 = tpu.vector_load %arg21[%parallel_loop3A_102] {strides = array<i32>} : memref<640xf32, #tpu.memory_space<vmem>>, vector<16xf32>,
      %parallel_loop3A_104 = vector.shape_cast %parallel_loop3A_103 : vector<16xf32> to vector<16xf32>
      %parallel_loop3A_105 = vector.shape_cast %parallel_loop3A_101 : vector<16xf32> to vector<16xf32>
      tpu.vector_store %arg21[%parallel_loop3A_102], %parallel_loop3A_105 {strides = array<i32>} : memref<640xf32, #tpu.memory_space<vmem>>, vector<16xf32>,
    } {sc.loop_unroll_factor = 4 : i64, sc.parallel_access}
    "tpu.region"() ({
      %run_scoped3A = tpu.sem_alloc : memref<!tpu.dma_semaphore, #tpu.memory_space<semaphore_mem>>
      %dma_start3A_92 = tpu.memref_slice %arg24[%mul3A_2] : memref<10240xf32, #tpu.memory_space<vmem_shared>> -> memref<640xf32, #tpu.memory_space<vmem_shared>>
      %dma_start3A_93 = tpu.memref_slice %arg24[%mul3A_2] : memref<10240xf32, #tpu.memory_space<vmem_shared>> -> memref<640xf32, #tpu.memory_space<vmem_shared>>
      tpu.enqueue_dma source(%arg21 : memref<640xf32, #tpu.memory_space<vmem>>) target(%dma_start3A_93 : memref<640xf32, #tpu.memory_space<vmem_shared>>) target_semaphore(%run_scoped3A : memref<!tpu.dma_semaphore, #tpu.memory_space<semaphore_mem>>)
      %dma_wait3A_94 = tpu.memref_slice %arg24[%mul3A_2] : memref<10240xf32, #tpu.memory_space<vmem_shared>> -> memref<640xf32, #tpu.memory_space<vmem_shared>>
      %dma_wait3A_95 = tpu.memref_slice %arg24[%mul3A_2] : memref<10240xf32, #tpu.memory_space<vmem_shared>> -> memref<640xf32, #tpu.memory_space<vmem_shared>>
      tpu.wait_dma2 semaphore(%run_scoped3A : memref<!tpu.dma_semaphore, #tpu.memory_space<semaphore_mem>>) src(%arg21 : memref<640xf32, #tpu.memory_space<vmem>>) dst(%dma_wait3A_95 : memref<640xf32, #tpu.memory_space<vmem_shared>>)
      tpu.yield
    }) : () -> ()
    %convert_element_type3A_36 = arith.extui %eq3A_5 : i1 to i32
    %cond3A_37 = arith.constant 0 : i32
    %cond3A_38 = arith.cmpi ne, %convert_element_type3A_36, %cond3A_37 : i32
    scf.if %cond3A_38 {
      %dma_wait3A_92 = arith.constant 0 : i32
      %dma_wait3A_93 = arith.constant 159744 : i32
      %dma_wait3A_94 = tpu.memref_slice %arg3[%dma_wait3A_92, %dma_wait3A_93] : memref<2x160000xi32, #tpu.memory_space<hbm>> -> memref<2x256xi32, #tpu.memory_space<hbm>>
      %dma_wait3A_95 = arith.constant 0 : i32
      %dma_wait3A_96 = arith.constant 159744 : i32
      %dma_wait3A_97 = tpu.memref_slice %arg3[%dma_wait3A_95, %dma_wait3A_96] : memref<2x160000xi32, #tpu.memory_space<hbm>> -> memref<2x256xi32, #tpu.memory_space<hbm>>
      tpu.wait_dma2 semaphore(%arg29 : memref<!tpu.dma_semaphore, #tpu.memory_space<semaphore_mem>>) src(%dma_wait3A_97 : memref<2x256xi32, #tpu.memory_space<hbm>>) dst(%arg7 : memref<2x256xi32, #tpu.memory_space<vmem>>)
      %parallel_loop3A_98 = arith.constant 0 : i32
      %parallel_loop3A_99 = arith.constant 16 : i32
      %parallel_loop3A_100 = arith.constant 1 : i32
      scf.for %parallel_loop3A_104 = %parallel_loop3A_98 to %parallel_loop3A_99 step %parallel_loop3A_100  : i32 {
        %parallel_loop3A_105 = arith.constant 16 : i32
        %parallel_loop3A_106 = arith.muli %parallel_loop3A_104, %parallel_loop3A_105 : i32
        %parallel_loop3A_107 = arith.constant 0 : i32
        %parallel_loop3A_108 = arith.index_cast %parallel_loop3A_107 : i32 to index
        %parallel_loop3A_109 = arith.index_cast %parallel_loop3A_106 : i32 to index
        %parallel_loop3A_110 = tpu.vector_load %arg7[%parallel_loop3A_108, %parallel_loop3A_109] {strides = array<i32>} : memref<2x256xi32, #tpu.memory_space<vmem>>, vector<1x16xi32>,
        %parallel_loop3A_111 = vector.shape_cast %parallel_loop3A_110 : vector<1x16xi32> to vector<16xi32>
        %parallel_loop3A_112 = arith.index_cast %parallel_loop3A_106 : i32 to index
        %parallel_loop3A_113 = tpu.vector_load %arg10[%parallel_loop3A_112] {strides = array<i32>} : memref<256xi32, #tpu.memory_space<vmem>>, vector<16xi32>,
        %parallel_loop3A_114 = vector.shape_cast %parallel_loop3A_113 : vector<16xi32> to vector<16xi32>
        %parallel_loop3A_115 = vector.shape_cast %parallel_loop3A_111 : vector<16xi32> to vector<16xi32>
        tpu.vector_store %arg10[%parallel_loop3A_112], %parallel_loop3A_115 {strides = array<i32>} : memref<256xi32, #tpu.memory_space<vmem>>, vector<16xi32>,
      } {sc.loop_unroll_factor = 8 : i64, sc.parallel_access}
      %parallel_loop3A_101 = arith.constant 0 : i32
      %parallel_loop3A_102 = arith.constant 16 : i32
      %parallel_loop3A_103 = arith.constant 1 : i32
      scf.for %parallel_loop3A_104 = %parallel_loop3A_101 to %parallel_loop3A_102 step %parallel_loop3A_103  : i32 {
        %parallel_loop3A_105 = arith.constant 16 : i32
        %parallel_loop3A_106 = arith.muli %parallel_loop3A_104, %parallel_loop3A_105 : i32
        %parallel_loop3A_107 = arith.constant 1 : i32
        %parallel_loop3A_108 = arith.index_cast %parallel_loop3A_107 : i32 to index
        %parallel_loop3A_109 = arith.index_cast %parallel_loop3A_106 : i32 to index
        %parallel_loop3A_110 = tpu.vector_load %arg7[%parallel_loop3A_108, %parallel_loop3A_109] {strides = array<i32>} : memref<2x256xi32, #tpu.memory_space<vmem>>, vector<1x16xi32>,
        %parallel_loop3A_111 = vector.shape_cast %parallel_loop3A_110 : vector<1x16xi32> to vector<16xi32>
        %parallel_loop3A_112 = arith.index_cast %parallel_loop3A_106 : i32 to index
        %parallel_loop3A_113 = tpu.vector_load %arg11[%parallel_loop3A_112] {strides = array<i32>} : memref<256xi32, #tpu.memory_space<vmem>>, vector<16xi32>,
        %parallel_loop3A_114 = vector.shape_cast %parallel_loop3A_113 : vector<16xi32> to vector<16xi32>
        %parallel_loop3A_115 = vector.shape_cast %parallel_loop3A_111 : vector<16xi32> to vector<16xi32>
        tpu.vector_store %arg11[%parallel_loop3A_112], %parallel_loop3A_115 {strides = array<i32>} : memref<256xi32, #tpu.memory_space<vmem>>, vector<16xi32>,
      } {sc.loop_unroll_factor = 8 : i64, sc.parallel_access}
    } else {
    }
    %barrier3A_39 = arith.constant 0 : index
    tpu.barrier barrier_id(%barrier3A_39)
    "tpu.trace_stop"() : () -> ()
    "tpu.trace_start"() <{level = 10 : i32, message = "phD"}> : () -> ()
    %dma_start3A_40 = arith.constant 0 : i32
    %dma_start3A_41 = tpu.memref_slice %arg12[%dma_start3A_40] : memref<4992xf32, #tpu.memory_space<vmem>> -> memref<2560xf32, #tpu.memory_space<vmem>>
    %dma_start3A_42 = arith.constant 0 : i32
    %dma_start3A_43 = tpu.memref_slice %arg8[%dma_start3A_42] : memref<4992xi32, #tpu.memory_space<vmem>> -> memref<2560xi32, #tpu.memory_space<vmem>>
    %dma_start3A_44 = arith.constant 0 : i32
    %dma_start3A_45 = tpu.memref_slice %arg24[%dma_start3A_44] : memref<10240xf32, #tpu.memory_space<vmem_shared>> -> memref<10240xf32, #tpu.memory_space<vmem_shared>>
    tpu.enqueue_indirect_dma source(%dma_start3A_45 : memref<10240xf32, #tpu.memory_space<vmem_shared>>) target(%dma_start3A_41 : memref<2560xf32, #tpu.memory_space<vmem>>) offsets(%dma_start3A_43 : memref<2560xi32, #tpu.memory_space<vmem>>) semaphore(%arg25 : memref<!tpu.dma_semaphore, #tpu.memory_space<semaphore_mem>>)
    %dma_start3A_46 = arith.constant 2560 : i32
    %dma_start3A_47 = tpu.memref_slice %arg12[%dma_start3A_46] : memref<4992xf32, #tpu.memory_space<vmem>> -> memref<2432xf32, #tpu.memory_space<vmem>>
    %dma_start3A_48 = arith.constant 2560 : i32
    %dma_start3A_49 = tpu.memref_slice %arg8[%dma_start3A_48] : memref<4992xi32, #tpu.memory_space<vmem>> -> memref<2432xi32, #tpu.memory_space<vmem>>
    %dma_start3A_50 = arith.constant 0 : i32
    %dma_start3A_51 = tpu.memref_slice %arg24[%dma_start3A_50] : memref<10240xf32, #tpu.memory_space<vmem_shared>> -> memref<10240xf32, #tpu.memory_space<vmem_shared>>
    tpu.enqueue_indirect_dma source(%dma_start3A_51 : memref<10240xf32, #tpu.memory_space<vmem_shared>>) target(%dma_start3A_47 : memref<2432xf32, #tpu.memory_space<vmem>>) offsets(%dma_start3A_49 : memref<2432xi32, #tpu.memory_space<vmem>>) semaphore(%arg27 : memref<!tpu.dma_semaphore, #tpu.memory_space<semaphore_mem>>)
    %convert_element_type3A_52 = arith.extui %eq3A_5 : i1 to i32
    %cond3A_53 = arith.constant 0 : i32
    %cond3A_54 = arith.cmpi ne, %convert_element_type3A_52, %cond3A_53 : i32
    scf.if %cond3A_54 {
      %dma_start3A_92 = arith.constant 0 : i32
      %dma_start3A_93 = tpu.memref_slice %arg24[%dma_start3A_92] : memref<10240xf32, #tpu.memory_space<vmem_shared>> -> memref<10240xf32, #tpu.memory_space<vmem_shared>>
      tpu.enqueue_indirect_dma source(%dma_start3A_93 : memref<10240xf32, #tpu.memory_space<vmem_shared>>) target(%arg15 : memref<256xf32, #tpu.memory_space<vmem>>) offsets(%arg10 : memref<256xi32, #tpu.memory_space<vmem>>) semaphore(%arg29 : memref<!tpu.dma_semaphore, #tpu.memory_space<semaphore_mem>>)
      %dma_start3A_94 = arith.constant 0 : i32
      %dma_start3A_95 = tpu.memref_slice %arg23[%dma_start3A_94] : memref<10240xf32, #tpu.memory_space<vmem_shared>> -> memref<10240xf32, #tpu.memory_space<vmem_shared>>
      tpu.enqueue_indirect_dma source(%dma_start3A_95 : memref<10240xf32, #tpu.memory_space<vmem_shared>>) target(%arg16 : memref<256xf32, #tpu.memory_space<vmem>>) offsets(%arg11 : memref<256xi32, #tpu.memory_space<vmem>>) semaphore(%arg28 : memref<!tpu.dma_semaphore, #tpu.memory_space<semaphore_mem>>)
    } else {
    }
    %dma_wait3A_55 = arith.constant 0 : i32
    %dma_wait3A_56 = tpu.memref_slice %arg23[%dma_wait3A_55] : memref<10240xf32, #tpu.memory_space<vmem_shared>> -> memref<10240xf32, #tpu.memory_space<vmem_shared>>
    tpu.wait_indirect_dma semaphore(%arg26 : memref<!tpu.dma_semaphore, #tpu.memory_space<semaphore_mem>>) src(%dma_wait3A_56 : memref<10240xf32, #tpu.memory_space<vmem_shared>>) dst(%arg13 : memref<4992xf32, #tpu.memory_space<vmem>>)
    %dma_wait3A_57 = arith.constant 0 : i32
    %dma_wait3A_58 = tpu.memref_slice %arg12[%dma_wait3A_57] : memref<4992xf32, #tpu.memory_space<vmem>> -> memref<2560xf32, #tpu.memory_space<vmem>>
    %dma_wait3A_59 = arith.constant 0 : i32
    %dma_wait3A_60 = tpu.memref_slice %arg8[%dma_wait3A_59] : memref<4992xi32, #tpu.memory_space<vmem>> -> memref<2560xi32, #tpu.memory_space<vmem>>
    %dma_wait3A_61 = arith.constant 0 : i32
    %dma_wait3A_62 = tpu.memref_slice %arg24[%dma_wait3A_61] : memref<10240xf32, #tpu.memory_space<vmem_shared>> -> memref<10240xf32, #tpu.memory_space<vmem_shared>>
    tpu.wait_indirect_dma semaphore(%arg25 : memref<!tpu.dma_semaphore, #tpu.memory_space<semaphore_mem>>) src(%dma_wait3A_62 : memref<10240xf32, #tpu.memory_space<vmem_shared>>) dst(%dma_wait3A_58 : memref<2560xf32, #tpu.memory_space<vmem>>)
    %parallel_loop3A_63 = arith.constant 0 : i32
    %parallel_loop3A_64 = arith.constant 160 : i32
    %parallel_loop3A_65 = arith.constant 1 : i32
    scf.for %parallel_loop3A_92 = %parallel_loop3A_63 to %parallel_loop3A_64 step %parallel_loop3A_65  : i32 {
      %parallel_loop3A_93 = arith.constant 16 : i32
      %parallel_loop3A_94 = arith.muli %parallel_loop3A_92, %parallel_loop3A_93 : i32
      %parallel_loop3A_95 = arith.index_cast %parallel_loop3A_94 : i32 to index
      %parallel_loop3A_96 = tpu.vector_load %arg12[%parallel_loop3A_95] {strides = array<i32>} : memref<4992xf32, #tpu.memory_space<vmem>>, vector<16xf32>,
      %parallel_loop3A_97 = vector.shape_cast %parallel_loop3A_96 : vector<16xf32> to vector<16xf32>
      %parallel_loop3A_98 = arith.index_cast %parallel_loop3A_94 : i32 to index
      %parallel_loop3A_99 = tpu.vector_load %arg13[%parallel_loop3A_98] {strides = array<i32>} : memref<4992xf32, #tpu.memory_space<vmem>>, vector<16xf32>,
      %parallel_loop3A_100 = vector.shape_cast %parallel_loop3A_99 : vector<16xf32> to vector<16xf32>
      %parallel_loop3A_101 = arith.mulf %parallel_loop3A_97, %parallel_loop3A_100 : vector<16xf32>
      %parallel_loop3A_102 = arith.index_cast %parallel_loop3A_94 : i32 to index
      %parallel_loop3A_103 = tpu.vector_load %arg14[%parallel_loop3A_102] {strides = array<i32>} : memref<4992xf32, #tpu.memory_space<vmem>>, vector<16xf32>,
      %parallel_loop3A_104 = vector.shape_cast %parallel_loop3A_103 : vector<16xf32> to vector<16xf32>
      %parallel_loop3A_105 = vector.shape_cast %parallel_loop3A_101 : vector<16xf32> to vector<16xf32>
      tpu.vector_store %arg14[%parallel_loop3A_102], %parallel_loop3A_105 {strides = array<i32>} : memref<4992xf32, #tpu.memory_space<vmem>>, vector<16xf32>,
    } {sc.loop_unroll_factor = 4 : i64, sc.parallel_access}
    %dma_start3A_66 = arith.constant 0 : i32
    %dma_start3A_67 = tpu.memref_slice %arg14[%dma_start3A_66] : memref<4992xf32, #tpu.memory_space<vmem>> -> memref<2560xf32, #tpu.memory_space<vmem>>
    %dma_start3A_68 = tpu.memref_slice %arg5[%mul3A_4] : memref<160000xf32, #tpu.memory_space<hbm>> -> memref<2560xf32, #tpu.memory_space<hbm>>
    %dma_start3A_69 = tpu.memref_slice %arg5[%mul3A_4] : memref<160000xf32, #tpu.memory_space<hbm>> -> memref<2560xf32, #tpu.memory_space<hbm>>
    %dma_start3A_70 = arith.constant 0 : i32
    %dma_start3A_71 = tpu.memref_slice %arg14[%dma_start3A_70] : memref<4992xf32, #tpu.memory_space<vmem>> -> memref<2560xf32, #tpu.memory_space<vmem>>
    tpu.enqueue_dma source(%dma_start3A_71 : memref<2560xf32, #tpu.memory_space<vmem>>) target(%dma_start3A_69 : memref<2560xf32, #tpu.memory_space<hbm>>) target_semaphore(%arg26 : memref<!tpu.dma_semaphore, #tpu.memory_space<semaphore_mem>>)
    %dma_wait3A_72 = arith.constant 2560 : i32
    %dma_wait3A_73 = tpu.memref_slice %arg12[%dma_wait3A_72] : memref<4992xf32, #tpu.memory_space<vmem>> -> memref<2432xf32, #tpu.memory_space<vmem>>
    %dma_wait3A_74 = arith.constant 2560 : i32
    %dma_wait3A_75 = tpu.memref_slice %arg8[%dma_wait3A_74] : memref<4992xi32, #tpu.memory_space<vmem>> -> memref<2432xi32, #tpu.memory_space<vmem>>
    %dma_wait3A_76 = arith.constant 0 : i32
    %dma_wait3A_77 = tpu.memref_slice %arg24[%dma_wait3A_76] : memref<10240xf32, #tpu.memory_space<vmem_shared>> -> memref<10240xf32, #tpu.memory_space<vmem_shared>>
    tpu.wait_indirect_dma semaphore(%arg27 : memref<!tpu.dma_semaphore, #tpu.memory_space<semaphore_mem>>) src(%dma_wait3A_77 : memref<10240xf32, #tpu.memory_space<vmem_shared>>) dst(%dma_wait3A_73 : memref<2432xf32, #tpu.memory_space<vmem>>)
    %parallel_loop3A_78 = arith.constant 0 : i32
    %parallel_loop3A_79 = arith.constant 152 : i32
    %parallel_loop3A_80 = arith.constant 1 : i32
    scf.for %parallel_loop3A_92 = %parallel_loop3A_78 to %parallel_loop3A_79 step %parallel_loop3A_80  : i32 {
      %parallel_loop3A_93 = arith.constant 16 : i32
      %parallel_loop3A_94 = arith.muli %parallel_loop3A_92, %parallel_loop3A_93 : i32
      %parallel_loop3A_95 = arith.constant 2560 : i32
      %parallel_loop3A_96 = arith.addi %parallel_loop3A_95, %parallel_loop3A_94 : i32
      %parallel_loop3A_97 = arith.index_cast %parallel_loop3A_96 : i32 to index
      %parallel_loop3A_98 = tpu.vector_load %arg12[%parallel_loop3A_97] {strides = array<i32>} : memref<4992xf32, #tpu.memory_space<vmem>>, vector<16xf32>,
      %parallel_loop3A_99 = vector.shape_cast %parallel_loop3A_98 : vector<16xf32> to vector<16xf32>
      %parallel_loop3A_100 = arith.index_cast %parallel_loop3A_96 : i32 to index
      %parallel_loop3A_101 = tpu.vector_load %arg13[%parallel_loop3A_100] {strides = array<i32>} : memref<4992xf32, #tpu.memory_space<vmem>>, vector<16xf32>,
      %parallel_loop3A_102 = vector.shape_cast %parallel_loop3A_101 : vector<16xf32> to vector<16xf32>
      %parallel_loop3A_103 = arith.mulf %parallel_loop3A_99, %parallel_loop3A_102 : vector<16xf32>
      %parallel_loop3A_104 = arith.index_cast %parallel_loop3A_96 : i32 to index
      %parallel_loop3A_105 = tpu.vector_load %arg14[%parallel_loop3A_104] {strides = array<i32>} : memref<4992xf32, #tpu.memory_space<vmem>>, vector<16xf32>,
      %parallel_loop3A_106 = vector.shape_cast %parallel_loop3A_105 : vector<16xf32> to vector<16xf32>
      %parallel_loop3A_107 = vector.shape_cast %parallel_loop3A_103 : vector<16xf32> to vector<16xf32>
      tpu.vector_store %arg14[%parallel_loop3A_104], %parallel_loop3A_107 {strides = array<i32>} : memref<4992xf32, #tpu.memory_space<vmem>>, vector<16xf32>,
    } {sc.loop_unroll_factor = 4 : i64, sc.parallel_access}
    %add3A_81 = arith.constant 2560 : i32
    %add3A_82 = arith.addi %mul3A_4, %add3A_81 : i32
    "tpu.region"() ({
      %run_scoped3A = tpu.sem_alloc : memref<!tpu.dma_semaphore, #tpu.memory_space<semaphore_mem>>
      %dma_start3A_92 = arith.constant 2560 : i32
      %dma_start3A_93 = tpu.memref_slice %arg14[%dma_start3A_92] : memref<4992xf32, #tpu.memory_space<vmem>> -> memref<2432xf32, #tpu.memory_space<vmem>>
      %dma_start3A_94 = tpu.memref_slice %arg5[%add3A_82] : memref<160000xf32, #tpu.memory_space<hbm>> -> memref<2432xf32, #tpu.memory_space<hbm>>
      %dma_start3A_95 = tpu.memref_slice %arg5[%add3A_82] : memref<160000xf32, #tpu.memory_space<hbm>> -> memref<2432xf32, #tpu.memory_space<hbm>>
      %dma_start3A_96 = arith.constant 2560 : i32
      %dma_start3A_97 = tpu.memref_slice %arg14[%dma_start3A_96] : memref<4992xf32, #tpu.memory_space<vmem>> -> memref<2432xf32, #tpu.memory_space<vmem>>
      tpu.enqueue_dma source(%dma_start3A_97 : memref<2432xf32, #tpu.memory_space<vmem>>) target(%dma_start3A_95 : memref<2432xf32, #tpu.memory_space<hbm>>) target_semaphore(%run_scoped3A : memref<!tpu.dma_semaphore, #tpu.memory_space<semaphore_mem>>)
      %dma_wait3A_98 = arith.constant 2560 : i32
      %dma_wait3A_99 = tpu.memref_slice %arg14[%dma_wait3A_98] : memref<4992xf32, #tpu.memory_space<vmem>> -> memref<2432xf32, #tpu.memory_space<vmem>>
      %dma_wait3A_100 = tpu.memref_slice %arg5[%add3A_82] : memref<160000xf32, #tpu.memory_space<hbm>> -> memref<2432xf32, #tpu.memory_space<hbm>>
      %dma_wait3A_101 = tpu.memref_slice %arg5[%add3A_82] : memref<160000xf32, #tpu.memory_space<hbm>> -> memref<2432xf32, #tpu.memory_space<hbm>>
      %dma_wait3A_102 = arith.constant 2560 : i32
      %dma_wait3A_103 = tpu.memref_slice %arg14[%dma_wait3A_102] : memref<4992xf32, #tpu.memory_space<vmem>> -> memref<2432xf32, #tpu.memory_space<vmem>>
      tpu.wait_dma2 semaphore(%run_scoped3A : memref<!tpu.dma_semaphore, #tpu.memory_space<semaphore_mem>>) src(%dma_wait3A_103 : memref<2432xf32, #tpu.memory_space<vmem>>) dst(%dma_wait3A_101 : memref<2432xf32, #tpu.memory_space<hbm>>)
      tpu.yield
    }) : () -> ()
    %dma_wait3A_83 = arith.constant 0 : i32
    %dma_wait3A_84 = tpu.memref_slice %arg14[%dma_wait3A_83] : memref<4992xf32, #tpu.memory_space<vmem>> -> memref<2560xf32, #tpu.memory_space<vmem>>
    %dma_wait3A_85 = tpu.memref_slice %arg5[%mul3A_4] : memref<160000xf32, #tpu.memory_space<hbm>> -> memref<2560xf32, #tpu.memory_space<hbm>>
    %dma_wait3A_86 = tpu.memref_slice %arg5[%mul3A_4] : memref<160000xf32, #tpu.memory_space<hbm>> -> memref<2560xf32, #tpu.memory_space<hbm>>
    %dma_wait3A_87 = arith.constant 0 : i32
    %dma_wait3A_88 = tpu.memref_slice %arg14[%dma_wait3A_87] : memref<4992xf32, #tpu.memory_space<vmem>> -> memref<2560xf32, #tpu.memory_space<vmem>>
    tpu.wait_dma2 semaphore(%arg26 : memref<!tpu.dma_semaphore, #tpu.memory_space<semaphore_mem>>) src(%dma_wait3A_88 : memref<2560xf32, #tpu.memory_space<vmem>>) dst(%dma_wait3A_86 : memref<2560xf32, #tpu.memory_space<hbm>>)
    %convert_element_type3A_89 = arith.extui %eq3A_5 : i1 to i32
    %cond3A_90 = arith.constant 0 : i32
    %cond3A_91 = arith.cmpi ne, %convert_element_type3A_89, %cond3A_90 : i32
    scf.if %cond3A_91 {
      %dma_wait3A_92 = arith.constant 0 : i32
      %dma_wait3A_93 = tpu.memref_slice %arg24[%dma_wait3A_92] : memref<10240xf32, #tpu.memory_space<vmem_shared>> -> memref<10240xf32, #tpu.memory_space<vmem_shared>>
      tpu.wait_indirect_dma semaphore(%arg29 : memref<!tpu.dma_semaphore, #tpu.memory_space<semaphore_mem>>) src(%dma_wait3A_93 : memref<10240xf32, #tpu.memory_space<vmem_shared>>) dst(%arg15 : memref<256xf32, #tpu.memory_space<vmem>>)
      %dma_wait3A_94 = arith.constant 0 : i32
      %dma_wait3A_95 = tpu.memref_slice %arg23[%dma_wait3A_94] : memref<10240xf32, #tpu.memory_space<vmem_shared>> -> memref<10240xf32, #tpu.memory_space<vmem_shared>>
      tpu.wait_indirect_dma semaphore(%arg28 : memref<!tpu.dma_semaphore, #tpu.memory_space<semaphore_mem>>) src(%dma_wait3A_95 : memref<10240xf32, #tpu.memory_space<vmem_shared>>) dst(%arg16 : memref<256xf32, #tpu.memory_space<vmem>>)
      %parallel_loop3A_96 = arith.constant 0 : i32
      %parallel_loop3A_97 = arith.constant 16 : i32
      %parallel_loop3A_98 = arith.constant 1 : i32
      scf.for %parallel_loop3A_99 = %parallel_loop3A_96 to %parallel_loop3A_97 step %parallel_loop3A_98  : i32 {
        %parallel_loop3A_100 = arith.constant 16 : i32
        %parallel_loop3A_101 = arith.muli %parallel_loop3A_99, %parallel_loop3A_100 : i32
        %parallel_loop3A_102 = arith.index_cast %parallel_loop3A_101 : i32 to index
        %parallel_loop3A_103 = tpu.vector_load %arg15[%parallel_loop3A_102] {strides = array<i32>} : memref<256xf32, #tpu.memory_space<vmem>>, vector<16xf32>,
        %parallel_loop3A_104 = vector.shape_cast %parallel_loop3A_103 : vector<16xf32> to vector<16xf32>
        %parallel_loop3A_105 = arith.index_cast %parallel_loop3A_101 : i32 to index
        %parallel_loop3A_106 = tpu.vector_load %arg16[%parallel_loop3A_105] {strides = array<i32>} : memref<256xf32, #tpu.memory_space<vmem>>, vector<16xf32>,
        %parallel_loop3A_107 = vector.shape_cast %parallel_loop3A_106 : vector<16xf32> to vector<16xf32>
        %parallel_loop3A_108 = arith.mulf %parallel_loop3A_104, %parallel_loop3A_107 : vector<16xf32>
        %parallel_loop3A_109 = arith.index_cast %parallel_loop3A_101 : i32 to index
        %parallel_loop3A_110 = tpu.vector_load %arg17[%parallel_loop3A_109] {strides = array<i32>} : memref<256xf32, #tpu.memory_space<vmem>>, vector<16xf32>,
        %parallel_loop3A_111 = vector.shape_cast %parallel_loop3A_110 : vector<16xf32> to vector<16xf32>
        %parallel_loop3A_112 = vector.shape_cast %parallel_loop3A_108 : vector<16xf32> to vector<16xf32>
        tpu.vector_store %arg17[%parallel_loop3A_109], %parallel_loop3A_112 {strides = array<i32>} : memref<256xf32, #tpu.memory_space<vmem>>, vector<16xf32>,
      } {sc.loop_unroll_factor = 4 : i64, sc.parallel_access}
      "tpu.region"() ({
        %run_scoped3A = tpu.sem_alloc : memref<!tpu.dma_semaphore, #tpu.memory_space<semaphore_mem>>
        %dma_start3A_99 = arith.constant 159744 : i32
        %dma_start3A_100 = tpu.memref_slice %arg5[%dma_start3A_99] : memref<160000xf32, #tpu.memory_space<hbm>> -> memref<256xf32, #tpu.memory_space<hbm>>
        %dma_start3A_101 = arith.constant 159744 : i32
        %dma_start3A_102 = tpu.memref_slice %arg5[%dma_start3A_101] : memref<160000xf32, #tpu.memory_space<hbm>> -> memref<256xf32, #tpu.memory_space<hbm>>
        tpu.enqueue_dma source(%arg17 : memref<256xf32, #tpu.memory_space<vmem>>) target(%dma_start3A_102 : memref<256xf32, #tpu.memory_space<hbm>>) target_semaphore(%run_scoped3A : memref<!tpu.dma_semaphore, #tpu.memory_space<semaphore_mem>>)
        %dma_wait3A_103 = arith.constant 159744 : i32
        %dma_wait3A_104 = tpu.memref_slice %arg5[%dma_wait3A_103] : memref<160000xf32, #tpu.memory_space<hbm>> -> memref<256xf32, #tpu.memory_space<hbm>>
        %dma_wait3A_105 = arith.constant 159744 : i32
        %dma_wait3A_106 = tpu.memref_slice %arg5[%dma_wait3A_105] : memref<160000xf32, #tpu.memory_space<hbm>> -> memref<256xf32, #tpu.memory_space<hbm>>
        tpu.wait_dma2 semaphore(%run_scoped3A : memref<!tpu.dma_semaphore, #tpu.memory_space<semaphore_mem>>) src(%arg17 : memref<256xf32, #tpu.memory_space<vmem>>) dst(%dma_wait3A_106 : memref<256xf32, #tpu.memory_space<hbm>>)
        tpu.yield
      }) : () -> ()
    } else {
    }
    "tpu.trace_stop"() : () -> ()
    return
  }
}

module attributes {stable_mosaic.version = 14 : i64} {
  func.func @_rowsum_body(%arg0: i32, %arg1: memref<5120x256xf32, #tpu.memory_space<vmem>>, %arg2: memref<5120xf32, #tpu.memory_space<vmem>>) attributes {dimension_semantics = [#tpu.dimension_semantics<arbitrary>], iteration_bounds = array<i64: 2>, scalar_prefetch = 0 : i64, scratch_operands = 0 : i64, tpu.core_type = #tpu.core_type<tc>, window_params = [{transform_indices = @transform_0, window_bounds = array<i64: 5120, 256>}, {transform_indices = @transform_1, window_bounds = array<i64: 5120>}]} {
    %get3A = arith.constant 0 : index
    %get3A_0 = arith.constant 0 : index
    %get3A_1 = vector.load %arg1[%get3A, %get3A_0] : memref<5120x256xf32, #tpu.memory_space<vmem>>, vector<5120x256xf32>
    %broadcast_in_dim3A = arith.constant 1.000000e+00 : f32
    %broadcast_in_dim3A_2 = vector.broadcast %broadcast_in_dim3A : f32 to vector<256xf32>
    %dot_general3A = arith.constant dense<0.000000e+00> : vector<5120xf32>
    %dot_general3A_3 = tpu.matmul %get3A_1, %broadcast_in_dim3A_2, %dot_general3A {dimension_numbers = #tpu.dot_dimension_numbers<[1], [0], [0], [], [0, 0], [], []>, transpose_lhs_hint = false} : vector<5120x256xf32>, vector<256xf32>, vector<5120xf32> -> vector<5120xf32>
    %swap3A = arith.constant 0 : index
    %swap3A_4 = vector.load %arg2[%swap3A] : memref<5120xf32, #tpu.memory_space<vmem>>, vector<5120xf32>
    tpu.vector_store %arg2[%swap3A], %dot_general3A_3 {strides = array<i32>} : memref<5120xf32, #tpu.memory_space<vmem>>, vector<5120xf32>,
    return
  }
  func.func @transform_0(%arg0: i32) -> (i32, i32) {
    %c0_i32 = arith.constant 0 : i32
    %c0_i32_0 = arith.constant 0 : i32
    return %arg0, %c0_i32 : i32, i32
  }
  func.func @transform_1(%arg0: i32) -> i32 {
    %c0_i32 = arith.constant 0 : i32
    return %arg0 : i32
  }
}

</mosaic_0001>

<sc_bundles>
// kernel: kernel.5.cloned.1.call-start
scs
__scs_entry_jumppad:
0x0: {  	(pc) =	sbr.rel $0x88, $3  }
0x1: {  	(tag) =	ssettag $0x0;
	lr =	simm.s32 $0x1  }
0x2: {  	[smem:$0x3F9F] =	sst lr;
	_ =	strace $0xD0000000  }
0x3: {  	_ = 	snop  }
0x4: {  	_ = 	snop  }
0x5: {  	_ = 	snop  }
0x6: {  	_ = 	snop  }
0x7: {  	_ = 	snop  }
__scs_overlays_trampoline_lowered:
0x8: {  	[smem:$0x3FAE] =	sst s0  }
0x9: {  	[smem:$0x3FAF] =	sst s1  }
0xa: {  	[smem:$0x3FB0] =	sst s2  }
0xb: {  	[smem:$0x3FB1] =	sst s3  }
0xc: {  	[smem:$0x3FB2] =	sst s4  }
0xd: {  	[smem:$0x3FB3] =	sst s5  }
0xe: {  	[smem:$0x3FB4] =	sst s6  }
0xf: {  	[smem:$0x3FB5] =	sst s7  }
0x10: {  	[smem:$0x3FB6] =	sst s8  }
0x11: {  	[smem:$0x3FB7] =	sst s9;
	s0 =	simm.s32 @!p0 $0x0  }
0x12: {  	s1 =	sld [smem:$0x3F9D];
	s0 =	simm.s32 @p0 $0x1  }
0x13: {  	[smem:$0x3FB8] =	sst s0;
	s0 =	simm.s32 @!p1 $0x0  }
0x14: {  	s2 =	sld [smem:$0x3F9C];
	s0 =	simm.s32 @p1 $0x1  }
0x15: {  	[smem:$0x3FB9] =	sst s0;
	s0 =	simm.s32 @!p2 $0x0  }
0x16: {  	s3 =	sld [smem:$0x3FDB];
	s0 =	simm.s32 @p2 $0x1  }
0x17: {  	s4 =	simm.s32 $0x1BF5;
	[smem:$0x3FBB] =	sst s0  }
0x18: {  	s0 =	sld [smem:$0x3F9E];
	_ =	swait.ge [sflag:s4], $0x0  }
0x19: {  	s7 =	sld [smem:$0x3F9F]  }
0x1a: {  	s8 =	sadd.s32 $0xFFFFE003, lr  }
0x1b: {  	s9 =	sadd.s32 $0xFFFFFEF7, lr;
	s5 =	simm.s32 $0xFFFFFFFF;
	p2 =	slt.u32 s8, $0xFFFFF086  }
0x1c: {  	p1 =	slt.u32 s9, $0xF7A;
	s5 =	simm.s32 @!p2 $0x0  }
0x1d: {  	s5 =	simm.s32 @p1 $0x1;
	p0 =	seq.s32 s7, s2  }
0x1e: {  	s7 =	smul.u32 @!p0 $0xF7A, s2;
	p2 =	seq.s32 @!p0 s5, $0x0  }
0x1f: {  	s9 =	smul.u32 $0xF7A, s1;
	s8 =	simm.s32 @!p0 $0x1BF5;
	p2 =	por !p2, p0  }
0x20: {  	[sflag:s8] =	ssyncset.s32 @!p0 $0xFFFFF086;
	s6 =	sadd.s32 @!p0 s3, s7;
	s7 =	simm.s32 @!p0 $0x108  }
0x21: {  	s3 =	sadd.s32 s3, s9;
	s6 =	sadd.s32 @!p0 $0x88, s6;
	s7 =	simm.s32 @p2 $0x1082  }
0x22: {  	[simem:s7], [sflag:s8] =	dma.local @!p0 [hbm:s6], $0xF7A  }
0x23: {  	s9 =	sor.u32 $0xD0000000, s2;
	s6 =	simm.s32 $0x108;
	_ =	swait.ge @!p0 [sflag:s8], $0x0  }
0x24: {  	s3 =	sadd.s32 $0x88, s3;
	s6 =	simm.s32 @!p1 $0x1082;
	[sflag:s4] =	ssyncset.s32 $0xFFFFF086  }
0x25: {  	[simem:s6], [sflag:s4] =	dma.local [hbm:s3], $0xF7A  }
0x26: {  	[smem:$0x3F9F] =	sst s1;
	(tag) =	ssettag s2;
	_ =	strace s9  }
0x27: {  	s1 =	sld [smem:$0x3FAF]  }
0x28: {  	s2 =	sld [smem:$0x3FB0]  }
0x29: {  	s4 =	sld [smem:$0x3FB2]  }
0x2a: {  	p0 =	seq.s32 s5, $0x0;
	s5 =	sld [smem:$0x3FB3]  }
0x2b: {  	s6 =	sld [smem:$0x3FB4]  }
0x2c: {  	s7 =	sld [smem:$0x3FB5]  }
0x2d: {  	s3 =	simm.s32 $0x108;
	s8 =	sld [smem:$0x3FB6]  }
0x2e: {  	s3 =	simm.s32 @!p0 $0x1082;
	s9 =	sld [smem:$0x3FB7]  }
0x2f: {  	lr =	sadd.s32 s0, s3;
	s0 =	sld [smem:$0x3FAE]  }
0x30: {  	s3 =	sld [smem:$0x3FB1]  }
0x31: {  	[smem:$0x3FBA] =	sst s10  }
0x32: {  	s10 =	sld [smem:$0x3FB8];
	_ =	sdelay $0x3  }
0x33: {  	p0 =	seq.s32 s10, $0x1;
	s10 =	sld [smem:$0x3FBA];
	_ =	sdelay $0x3  }
0x34: {  	[smem:$0x3FBA] =	sst s10  }
0x35: {  	s10 =	sld [smem:$0x3FB9];
	_ =	sdelay $0x3  }
0x36: {  	p1 =	seq.s32 s10, $0x1;
	s10 =	sld [smem:$0x3FBA];
	_ =	sdelay $0x3  }
0x37: {  	[smem:$0x3FBA] =	sst s10  }
0x38: {  	s10 =	sld [smem:$0x3FBB]  }
0x39: {  	_ = 	snop;
	(pc) =	sbr.ind lr, $3  }
0x3a: {  	_ = 	snop  }
0x3b: {  	_ = 	snop  }
0x3c: {  	p2 =	seq.s32 s10, $0x1;
	s10 =	sld [smem:$0x3FBA]  }
0x3d: {  	_ =	shalt  }
0x3e: {  	_ =	shalt  }
0x3f: {  	_ =	shalt  }
0x40: {  	_ =	shalt  }
0x41: {  	_ =	shalt  }
0x42: {  	_ =	shalt  }
0x43: {  	_ =	shalt  }
0x44: {  	_ =	shalt  }
0x45: {  	_ =	shalt  }
0x46: {  	_ =	shalt  }
0x47: {  	_ =	shalt  }
0x48: {  	_ =	shalt  }
0x49: {  	_ =	shalt  }
0x4a: {  	_ =	shalt  }
0x4b: {  	_ =	shalt  }
0x4c: {  	_ =	shalt  }
0x4d: {  	_ =	shalt  }
0x4e: {  	_ =	shalt  }
0x4f: {  	_ =	shalt  }
0x50: {  	_ =	shalt  }
0x51: {  	_ =	shalt  }
0x52: {  	_ =	shalt  }
0x53: {  	_ =	shalt  }
0x54: {  	_ =	shalt  }
0x55: {  	_ =	shalt  }
0x56: {  	_ =	shalt  }
0x57: {  	_ =	shalt  }
0x58: {  	_ =	shalt  }
0x59: {  	_ =	shalt  }
0x5a: {  	_ =	shalt  }
0x5b: {  	_ =	shalt  }
0x5c: {  	_ =	shalt  }
0x5d: {  	_ =	shalt  }
0x5e: {  	_ =	shalt  }
0x5f: {  	_ =	shalt  }
0x60: {  	_ =	shalt  }
0x61: {  	_ =	shalt  }
0x62: {  	_ =	shalt  }
0x63: {  	_ =	shalt  }
0x64: {  	_ =	shalt  }
0x65: {  	_ =	shalt  }
0x66: {  	_ =	shalt  }
0x67: {  	_ =	shalt  }
0x68: {  	_ =	shalt  }
0x69: {  	_ =	shalt  }
0x6a: {  	_ =	shalt  }
0x6b: {  	_ =	shalt  }
0x6c: {  	_ =	shalt  }
0x6d: {  	_ =	shalt  }
0x6e: {  	_ =	shalt  }
0x6f: {  	_ =	shalt  }
0x70: {  	_ =	shalt  }
0x71: {  	_ =	shalt  }
0x72: {  	_ =	shalt  }
0x73: {  	_ =	shalt  }
0x74: {  	_ =	shalt  }
0x75: {  	_ =	shalt  }
0x76: {  	_ =	shalt  }
0x77: {  	_ =	shalt  }
0x78: {  	_ =	shalt  }
0x79: {  	_ =	shalt  }
0x7a: {  	_ =	shalt  }
0x7b: {  	_ =	shalt  }
0x7c: {  	_ =	shalt  }
0x7d: {  	_ =	shalt  }
0x7e: {  	_ =	shalt  }
0x7f: {  	_ =	shalt  }
0x80: {  	_ =	shalt  }
0x81: {  	_ =	shalt  }
0x82: {  	_ =	shalt  }
0x83: {  	_ =	shalt  }
0x84: {  	_ =	shalt  }
0x85: {  	_ =	shalt  }
0x86: {  	_ =	shalt  }
0x87: {  	_ =	shalt  }
.Lfunc_end0:
.L_simem_size_0:
called_computation_lowered:
.L_overlay_start_0:
0x88: {  	s2 =	sld [smem:$0x3FD9]  }
0x89: {  	s3 =	sld [smem:$0x3FFE];
	_ =	sdelay $0x1  }
0x8a: {  	s1 =	srdreg.scid  }
0x8b: {  	s0 =	sand.u32 $0x1, s1  }
0x8c: {  	s17 =	sshll.u32 s0, $0xA;
	s2 =	sadd.s32 s3, s2  }
0x8d: {  	s2 =	sadd.s32 s2, s17  }
0x8e: {  	[smem:$0x3FC6] =	sst s2  }
0x8f: {  	_ = 	snop  }
0x90: {  	s2 =	sld [smem:$0x3FC8];
	(tm) =	ssettm $0x1  }
0x91: {  	s18 =	sld [smem:$0x3FFB];
	_ =	sdelay $0x3  }
0x92: {  	_ =	strace s18  }
0x93: {  	s3 =	sld [smem:$0x3FFC];
	_ =	sdelay $0x3  }
0x94: {  	_ =	strace s3  }
0x95: {  	s3 =	sld [smem:$0x3FFD];
	_ =	sdelay $0x3  }
0x96: {  	_ =	strace s3  }
0x97: {  	_ =	strace $0x8FFFFFFF  }
0x98: {  	s19 =	sld [smem:$0x3FDB];
	_ =	sdelay $0x1  }
0x99: {  	s4 =	simm.s32 $_scs_section_size  }
0x9a: {  	s5 =	simm.s32 $_size__tile_overlayer_lowered;
	s6 =	simm.s32 $_tile_overlayer_lowered  }
0x9b: {  	s22 =	simm.s32 $0x1BFF;
	s21 =	sshll.u32 s6, $0x1;
	s3 =	sadd.s32 s4, s19  }
0x9c: {  	s7 =	simm.s32 $0x0;
	s20 =	sshll.u32 s5, $0x1;
	s5 =	sadd.s32 s21, s3  }
0x9d: {  	[timem:s7], [sflag:s22] =	dma.local [hbm:s5], s20  }
0x9e: {  	_ =	swait.ge [sflag:s22], s20  }
0x9f: {  	s4 =	ssub.s32 $0x0, s20;
	[sflag:s22] =	ssyncset.done $0x0  }
0xa0: {  	[sflag:s22] =	ssyncadd.s32 s4;
	_ =	sdelay $0x1  }
0xa1: {  	s23 =	simm.s32 $0x1B8B  }
0xa2: {  	_ =	swait.ge [sflag:s23], $0x1  }
0xa3: {  	[sflag:s23] =	ssyncset.done $0x0  }
0xa4: {  	s25 =	simm.s32 $0x1B8E;
	s24 =	sld [smem:$0x3FFE];
	[sflag:s23] =	ssyncadd.s32 $0xFFFFFFFF  }
0xa5: {  	s26 =	simm.s32 $execute0_lowered;
	[smem:$0x3FD2] =	sst s25  }
0xa6: {  	s5 =	sshll.u32 s26, $0x1;
	_ =	strace $0x80000046;
	[dreg:$0x1] =	wrdreg $0xFFFFFFFF  }
0xa7: {  	s28 =	simm.s32 $_size_execute0_lowered;
	s3 =	sadd.s32 s3, s5;
	[dreg:$0x0] =	wrdreg $0x0  }
0xa8: {  	s5 =	sshll.u32 s28, $0x1;
	[dreg:$0x2] =	wrdreg s3  }
0xa9: {  	[dreg:$0x3] =	wrdreg s5  }
0xaa: {  	[dreg:$0x4] =	wrdreg $0xC0  }
0xab: {  	_ =	task [dreg:s7], $0x5FFFF  }
0xac: {  	[dreg:$0x1] =	wrdreg $0xFFFFFFFF  }
0xad: {  	[dreg:$0x0] =	wrdreg $0x60  }
0xae: {  	[dreg:$0x2] =	wrdreg s2  }
0xaf: {  	[dreg:$0x3] =	wrdreg s24  }
0xb0: {  	[dreg:$0x4] =	wrdreg $0x52000  }
0xb1: {  	[dreg:$0x5] =	wrdreg $0x9  }
0xb2: {  	_ =	task.clear_ibuf [dreg:s7], $0x6FFFF;
	_ =	strace $0x90000046  }
0xb3: {  	s29 =	simm.s32 $0x9;
	_ =	strace $0x8000004B  }
0xb4: {  	_ =	swait.ge [sflag:s29], $0x1  }
0xb5: {  	[sflag:s29] =	ssyncadd.s32 $0xFFFFFFFF  }
0xb6: {  	_ =	strace $0x9000004B  }
0xb7: {  	_ =	sfence  }
0xb8: {  	s30 =	sld [smem:$0x0];
	_ =	sdelay $0x2  }
0xb9: {  	s31 =	sshll.u32 s1, $0xD;
	s1 =	sshrl.u32 s1, $0x2  }
0xba: {  	s3 =	sand.u32 $0x4000, s31;
	s1 =	sadd.s32 s1, s30  }
0xbb: {  	s0 =	sor.u32 s3, s0;
	s1 =	sshll.u32 s1, $0x11  }
0xbc: {  	s0 =	sor.u32 s1, s0  }
0xbd: {  	s0 =	sadd.s32 $0x8F2B, s0  }
0xbe: {  	[sflag:s0] =	ssyncadd.remote.s32 $0x1  }
0xbf: {  	_ =	sfence.sel $0xFFFF  }
0xc0: {  	[dreg:$0x0] =	wrdreg $0xFFFFFFFF;
	(pc) =	sbr.abs _section_cstart, $3  }
0xc1: {  	[dreg:$0x1] =	wrdreg $0xFFFFFFFF  }
0xc2: {  	_ =	task.clear_ibuf [dreg:s7], $0x2FFFF;
	_ =	strace $0x9FFFFFFF  }
0xc3: {  	(tm) =	ssettm $0x7FFFFFFF  }
tec
execute0_lowered:
.L_overlay_start_1:
0x0: {  	(tag) =	ssettag $0x1  }
0x1: {  	s5 =	rddreg [dreg:$0x0]  }
0x2: {  	s1 =	srdreg.scid;
	s0 =	stileid.u32  }
0x3: {  	s4 =	rddreg [dreg:$0x1];
	s7 =	smul.u32 $0x280, s0  }
0x4: {  	s2 =	rddreg [dreg:$0x2];
	s6 =	sand.u32 $0x1, s1;
	s10 =	smul.u32 $0x1380, s0  }
0x5: {  	s3 =	simm.s32 $0x0;
	s1 =	rddreg [dreg:$0x3];
	s8 =	smul.u32 $0x2800, s6  }
0x6: {  	s12 =	simm.s32 $0x0;
	[smem:$0x7FF] =	sst s3;
	s9 =	smul.u32 $0x13880, s6  }
0x7: {  	p0 =	sne.s32 s0, $0xF;
	s11 =	smul.u32 $0x27100, s6;
	s28 =	ssub.s32 $0x2, s6  }
0x8: {  	_ =	strace $0x80000047;
	s30 =	sshrl.u32 s28, $0x1;
	s8 =	sadd.s32 s7, s8  }
0x9: {  	s29 =	sadd.s32 s10, s9;
	s31 =	sshrl.u32 s11, $0x3;
	s9 =	ssub.s32 s28, s30  }
0xa: {  	s10 =	simm.s32 $0x3;
	s8 =	sshrl.u32 s8, $0x3;
	s6 =	sshrl.u32 s29, $0x2  }
0xb: {  	s8 =	sadd.s32 s8, s4;
	s4 =	sadd.s32 s5, s6;
	s5 =	sadd.s32 s5, s31  }
0xc: {  	s11 =	simm.s32 $0x1;
	s6 =	sadd.s32 s7, s2;
	s5 =	sadd.s32 $0x4E00, s5  }
0xd: {  	v0 =	vimm.f32 $1.000000000e+00;
	v1 =	vimm.f32 $0.0e+00;
	s7 =	sadd.s32 $0xC00, s8;
	s8 =	smax.u32 s9, $0x1;
	s9 =	simm.s32 $0x4F80  }
.LBB2_1:
0xe: {  	_ =	strace $0x80000048  }
0xf: {  	[tilespmem:s3], [sflag:$0x1] =	stream.linear.gather [hbm4b:s4+s3], $0x2700, $0x200038;
	[tilespmem:$0x5480] =	vst v63  }
0x10: {  	s13 =	simm.s32 @!p0 $0x0;
	s14 =	simm.s32 @!p0 $0x2700  }
0x11: {  	[tilespmem:s14], [sflag:$0x2] =	stream.linear.gather @!p0 [hbm4b:s5+s13], $0x100, $0x200038;
	[tilespmem:$0x5480] =	vst v63  }
0x12: {  	s14 =	simm.s32 $0x3C20  }
0x13: {  	[tilespmem:s14+$0xFFFFFFE0] =	vst v0  }
0x14: {  	[tilespmem:s14+$0x10] =	vst v0  }
0x15: {  	s15 =	simm.s32 $0x0;
	[tilespmem:s14+$0x0] =	vst v0  }
.LBB2_2:
0x16: {  	s15 =	sadd.s32 $0x4, s15  }
0x17: {  	[tilespmem:s14+$0xFFFFFFF0] =	vst v0;
	s14 =	sadd.s32 $0x40, s14;
	s13 =	simm.s32 $0x4FA0;
	p1 =	slt.u32 s15, $0x134  }
.Ltmp0:
0x18: {  	[tilespmem:s14+$0xFFFFFFE0] =	vst v0;
	(pc) =	sbr.rel @p1 .LBB2_2-.Ltmp0, $3  }
0x19: {  	_ =	sdelay $0x1  }
0x1a: {  	[tilespmem:s14+$0x10] =	vst v0  }
0x1b: {  	[tilespmem:s14+$0x0] =	vst v0  }
0x1c: {  	[tilespmem:s14+$0xFFFFFFF0] =	vst v0  }
0x1d: {  	[tilespmem:s13+$0xFFFFFFE0] =	vst v1  }
0x1e: {  	[tilespmem:s13+$0x10] =	vst v1  }
0x1f: {  	s14 =	simm.s32 $0x0;
	[tilespmem:s13+$0x0] =	vst v1  }
.LBB2_4:
0x20: {  	s14 =	sadd.s32 $0x4, s14  }
0x21: {  	[tilespmem:s13+$0xFFFFFFF0] =	vst v1;
	s13 =	sadd.s32 $0x40, s13;
	p1 =	slt.u32 s14, $0x24  }
.Ltmp1:
0x22: {  	[tilespmem:s13+$0xFFFFFFE0] =	vst v1;
	(pc) =	sbr.rel @p1 .LBB2_4-.Ltmp1, $3  }
0x23: {  	_ =	sdelay $0x1  }
0x24: {  	[tilespmem:s13+$0x10] =	vst v1  }
0x25: {  	[tilespmem:s13+$0x0] =	vst v1  }
0x26: {  	[tilespmem:s13+$0xFFFFFFF0] =	vst v1  }
0x27: {  	[spmem:s6] =	stream.linear.scatter [tilespmem:s9], [sflag:$0x3], $0x280, $0x200038;
	[tilespmem:$0x5480] =	vst v63  }
0x28: {  	_ =	swait.ge [sflag:s10], $0x280  }
0x29: {  	[sflag:s10] =	ssyncset.done $0x0  }
0x2a: {  	[sflag:s10] =	ssyncadd.s32 $0xFFFFFD80  }
0x2b: {  	_ =	swait.ge [sflag:s11], $0x2700  }
0x2c: {  	[sflag:s11] =	ssyncset.done $0x0  }
0x2d: {  	s15 =	simm.s32 $0xF0;
	[sflag:s11] =	ssyncadd.s32 $0xFFFFD900  }
0x2e: {  	v5 =	vld [tilespmem:s15+$0x0]  }
0x2f: {  	v6 =	vld [tilespmem:s15+$0xFFFFFFA0]  }
0x30: {  	v7 =	vld [tilespmem:s15+$0xFFFFFFB0]  }
0x31: {  	v2 =	vld [tilespmem:s15+$0xFFFFFFC0]  }
0x32: {  	s13 =	simm.s32 $0x2840;
	v3 =	vld [tilespmem:s15+$0xFFFFFFD0]  }
0x33: {  	v4 =	vld [tilespmem:s15+$0xFFFFFFE0];
	[tilespmem:s13+$0x30] =	vst v5  }
0x34: {  	[tilespmem:s13+$0xFFFFFFD0] =	vst v6;
	v5 =	vld [tilespmem:s15+$0xFFFFFFF0]  }
0x35: {  	s14 =	simm.s32 $0x0;
	v6 =	vld [tilespmem:s15+$0xFFFFFF90];
	[tilespmem:s13+$0xFFFFFFE0] =	vst v7;
	s15 =	simm.s32 $0x1F0  }
.LBB2_6:
0x36: {  	v7 =	vld [tilespmem:s15+$0x0];
	s14 =	sadd.s32 $0x8, s14;
	[tilespmem:s13+$0xFFFFFFF0] =	vst v2  }
0x37: {  	v8 =	vld [tilespmem:s15+$0xFFFFFFA0];
	p1 =	slt.u32 s14, $0x130;
	[tilespmem:s13+$0x0] =	vst v3  }
0x38: {  	v9 =	vld [tilespmem:s15+$0xFFFFFFB0];
	[tilespmem:s13+$0x10] =	vst v4  }
.Ltmp2:
0x39: {  	v2 =	vld [tilespmem:s15+$0xFFFFFFC0];
	[tilespmem:s13+$0x20] =	vst v5;
	(pc) =	sbr.rel @p1 .LBB2_6-.Ltmp2, $4  }
0x3a: {  	v3 =	vld [tilespmem:s15+$0xFFFFFFD0];
	[tilespmem:s13+$0xFFFFFFC0] =	vst v6;
	s13 =	sadd.s32 $0x80, s13  }
0x3b: {  	v4 =	vld [tilespmem:s15+$0xFFFFFFE0];
	[tilespmem:s13+$0x30] =	vst v7  }
0x3c: {  	[tilespmem:s13+$0xFFFFFFD0] =	vst v8;
	v5 =	vld [tilespmem:s15+$0xFFFFFFF0]  }
0x3d: {  	v6 =	vld [tilespmem:s15+$0xFFFFFF90];
	[tilespmem:s13+$0xFFFFFFE0] =	vst v9;
	s15 =	sadd.s32 $0x100, s15  }
0x3e: {  	[tilespmem:s13+$0xFFFFFFF0] =	vst v2  }
0x3f: {  	[tilespmem:s13+$0x0] =	vst v3  }
0x40: {  	[tilespmem:s13+$0x10] =	vst v4  }
0x41: {  	[tilespmem:s13+$0x20] =	vst v5  }
0x42: {  	[tilespmem:s13+$0xFFFFFFC0] =	vst v6  }
0x43: {  	[bflag:$0x0] =	sbarrier.arrive @p0 $0xFFFF  }
0x44: {  	s14 =	simm.s32 @p0 $0x2800;
	_ =	strace @p0 $0x90000048  }
0x45: {  	s15 =	simm.s32 @p0 $0x3C00;
	s13 =	simm.s32 @p0 $0x1380;
	_ =	strace @p0 $0x80000049  }
0x46: {  	[spmem:s2] =	stream.indirect.scatter.add.f32 @p0 [tilespmem:s15], [sflag:$0x3], $0x1, s14, s13, $0x2000b8;
	[tilespmem:$0x5480] =	vst v63  }
0x47: {  	s13 =	simm.s32 @p0 $0x3  }
0x48: {  	_ =	swait.ge @p0 [sflag:s13], $0x1380  }
0x49: {  	[sflag:s13] =	ssyncset.done @p0 $0x0  }
0x4a: {  	[sflag:s13] =	ssyncadd.s32 @p0 $0xFFFFEC80;
	s13 =	simm.s32 @!p0 $0x2  }
0x4b: {  	_ =	swait.ge @!p0 [sflag:s13], $0x100  }
0x4c: {  	[sflag:s13] =	ssyncset.done @!p0 $0x0  }
0x4d: {  	[sflag:s13] =	ssyncadd.s32 @!p0 $0xFFFFFF00  }
0x4e: {  	v2 =	vld @!p0 [tilespmem:$0x2780]  }
0x4f: {  	v3 =	vld @!p0 [tilespmem:$0x2790]  }
0x50: {  	v4 =	vld @!p0 [tilespmem:$0x27A0]  }
0x51: {  	v5 =	vld @!p0 [tilespmem:$0x27B0]  }
0x52: {  	v6 =	vld @!p0 [tilespmem:$0x27C0]  }
0x53: {  	[tilespmem:$0x3B80] =	vst @!p0 v2;
	v2 =	vld @!p0 [tilespmem:$0x27D0]  }
0x54: {  	[tilespmem:$0x3B90] =	vst @!p0 v3;
	v3 =	vld @!p0 [tilespmem:$0x27E0]  }
0x55: {  	[tilespmem:$0x3BA0] =	vst @!p0 v4;
	v4 =	vld @!p0 [tilespmem:$0x27F0]  }
0x56: {  	[tilespmem:$0x3BB0] =	vst @!p0 v5  }
0x57: {  	[tilespmem:$0x3BC0] =	vst @!p0 v6  }
0x58: {  	[tilespmem:$0x3BD0] =	vst @!p0 v2  }
0x59: {  	[tilespmem:$0x3BE0] =	vst @!p0 v3  }
0x5a: {  	[tilespmem:$0x3BF0] =	vst @!p0 v4  }
0x5b: {  	[bflag:$0x0] =	sbarrier.arrive @!p0 $0xFFFF  }
0x5c: {  	s14 =	simm.s32 @!p0 $0x2800;
	_ =	strace @!p0 $0x90000048  }
0x5d: {  	s15 =	simm.s32 @!p0 $0x3C00;
	s13 =	simm.s32 @!p0 $0x1380;
	_ =	strace @!p0 $0x80000049  }
0x5e: {  	[spmem:s2] =	stream.indirect.scatter.add.f32 @!p0 [tilespmem:s15], [sflag:$0x3], $0x1, s14, s13, $0x2000b8;
	[tilespmem:$0x5480] =	vst v63  }
0x5f: {  	s13 =	simm.s32 @!p0 $0x3  }
0x60: {  	_ =	swait.ge @!p0 [sflag:s13], $0x1380  }
0x61: {  	[sflag:s13] =	ssyncset.done @!p0 $0x0  }
0x62: {  	s16 =	simm.s32 @!p0 $0x3B80;
	s14 =	simm.s32 @!p0 $0x80;
	[sflag:s13] =	ssyncadd.s32 @!p0 $0xFFFFEC80  }
0x63: {  	[spmem:s2] =	stream.indirect.scatter.add.f32 @!p0 [tilespmem:s15], [sflag:$0x3], $0x1, s16, s14, $0x2000b8;
	[tilespmem:$0x5480] =	vst v63  }
0x64: {  	_ =	swait.ge @!p0 [sflag:s13], $0x80  }
0x65: {  	[sflag:s13] =	ssyncset.done @!p0 $0x0  }
0x66: {  	[sflag:s13] =	ssyncadd.s32 @!p0 $0xFFFFFF80  }
0x67: {  	s30 =	sshll.u32 s0, $0x6;
	[bflag:$0x0] =	sbarrier.arrive $0xFFFF  }
0x68: {  	s31 =	sshrl.u32 s6, $0x3;
	s12 =	sadd.s32 $0x1, s12;
	_ =	strace $0x90000049  }
0x69: {  	p1 =	sne.s32 s12, s8;
	s13 =	sor.u32 $0x1C03, s30;
	_ =	strace $0x8000004A  }
0x6a: {  	[hbm:s7], [sflag:s13] =	dma.local [spmem:s31], $0x50  }
.Ltmp3:
0x6b: {  	_ = 	snop;
	(pc) =	sbr.rel @p1 .LBB2_1-.Ltmp3, $4  }
0x6c: {  	_ =	swait.ge [sflag:s10], $0x50  }
0x6d: {  	[sflag:s10] =	ssyncset.done $0x0  }
0x6e: {  	[sflag:s10] =	ssyncadd.s32 $0xFFFFFFB0  }
0x6f: {  	_ =	strace $0x9000004A  }
0x70: {  	_ =	sfence.sel $0x180000  }
0x71: {  	[bflag:$0x0] =	sbarrier.arrive $0xFFFF  }
0x72: {  	p0 =	sne.s32 s0, $0x0;
	_ =	strace $0x90000047  }
0x73: {  	s0 =	sadd.s32 @!p0 $0x100000, s1;
	[bflag:$0x2] =	sbarrier.arrive $0xFFFF  }
0x74: {  	[sflag:s0] =	ssyncadd.tile.s32 @!p0 $0x1;
	_ =	shalt  }
.Lfunc_end2:
_tile_overlayer_lowered:
.L_overlay_start_2:
0x75: {  	(tag) =	ssettag $0x2  }
0x76: {  	s0 =	rddreg [dreg:$0x0];
	s2 =	stileid.u32  }
0x77: {  	s1 =	rddreg [dreg:$0x1];
	p0 =	sne.s32 s2, $0x0  }
0x78: {  	s3 =	rddreg [dreg:$0x2];
	[bflag:$0x3] =	sbarrier.arrive $0xFFFF;
	s2 =	simm.s32 @!p0 $0x1C03  }
0x79: {  	[timem:s3], [sflag:s2] =	dma.local @!p0 [hbm:s0], s1  }
0x7a: {  	s0 =	simm.s32 @!p0 $0x3  }
0x7b: {  	_ =	swait.ge @!p0 [sflag:s0], s1  }
0x7c: {  	s1 =	ssub.s32 @!p0 $0x0, s1;
	[sflag:s0] =	ssyncset.done @!p0 $0x0  }
0x7d: {  	[sflag:s0] =	ssyncadd.s32 @!p0 s1  }
0x7e: {  	[bflag:$0x3] =	sbarrier.arrive $0xFFFF  }
0x7f: {  	_ =	shalt  }

// kernel: kernel.8.cloned.1.call-start
scs
__scs_entry_jumppad:
0x0: {  	(pc) =	sbr.rel $0x88, $3  }
0x1: {  	(tag) =	ssettag $0x0;
	lr =	simm.s32 $0x1  }
0x2: {  	[smem:$0x3F9F] =	sst lr;
	_ =	strace $0xD0000000  }
0x3: {  	_ = 	snop  }
0x4: {  	_ = 	snop  }
0x5: {  	_ = 	snop  }
0x6: {  	_ = 	snop  }
0x7: {  	_ = 	snop  }
__scs_overlays_trampoline_lowered:
0x8: {  	[smem:$0x3FAE] =	sst s0  }
0x9: {  	[smem:$0x3FAF] =	sst s1  }
0xa: {  	[smem:$0x3FB0] =	sst s2  }
0xb: {  	[smem:$0x3FB1] =	sst s3  }
0xc: {  	[smem:$0x3FB2] =	sst s4  }
0xd: {  	[smem:$0x3FB3] =	sst s5  }
0xe: {  	[smem:$0x3FB4] =	sst s6  }
0xf: {  	[smem:$0x3FB5] =	sst s7  }
0x10: {  	[smem:$0x3FB6] =	sst s8  }
0x11: {  	[smem:$0x3FB7] =	sst s9;
	s0 =	simm.s32 @!p0 $0x0  }
0x12: {  	s1 =	sld [smem:$0x3F9D];
	s0 =	simm.s32 @p0 $0x1  }
0x13: {  	[smem:$0x3FB8] =	sst s0;
	s0 =	simm.s32 @!p1 $0x0  }
0x14: {  	s2 =	sld [smem:$0x3F9C];
	s0 =	simm.s32 @p1 $0x1  }
0x15: {  	[smem:$0x3FB9] =	sst s0;
	s0 =	simm.s32 @!p2 $0x0  }
0x16: {  	s3 =	sld [smem:$0x3FDB];
	s0 =	simm.s32 @p2 $0x1  }
0x17: {  	s4 =	simm.s32 $0x1BF5;
	[smem:$0x3FBB] =	sst s0  }
0x18: {  	s0 =	sld [smem:$0x3F9E];
	_ =	swait.ge [sflag:s4], $0x0  }
0x19: {  	s7 =	sld [smem:$0x3F9F]  }
0x1a: {  	s8 =	sadd.s32 $0xFFFFE003, lr  }
0x1b: {  	s9 =	sadd.s32 $0xFFFFFEF7, lr;
	s5 =	simm.s32 $0xFFFFFFFF;
	p2 =	slt.u32 s8, $0xFFFFF086  }
0x1c: {  	p1 =	slt.u32 s9, $0xF7A;
	s5 =	simm.s32 @!p2 $0x0  }
0x1d: {  	s5 =	simm.s32 @p1 $0x1;
	p0 =	seq.s32 s7, s2  }
0x1e: {  	s7 =	smul.u32 @!p0 $0xF7A, s2;
	p2 =	seq.s32 @!p0 s5, $0x0  }
0x1f: {  	s9 =	smul.u32 $0xF7A, s1;
	s8 =	simm.s32 @!p0 $0x1BF5;
	p2 =	por !p2, p0  }
0x20: {  	[sflag:s8] =	ssyncset.s32 @!p0 $0xFFFFF086;
	s6 =	sadd.s32 @!p0 s3, s7;
	s7 =	simm.s32 @!p0 $0x108  }
0x21: {  	s3 =	sadd.s32 s3, s9;
	s6 =	sadd.s32 @!p0 $0x88, s6;
	s7 =	simm.s32 @p2 $0x1082  }
0x22: {  	[simem:s7], [sflag:s8] =	dma.local @!p0 [hbm:s6], $0xF7A  }
0x23: {  	s9 =	sor.u32 $0xD0000000, s2;
	s6 =	simm.s32 $0x108;
	_ =	swait.ge @!p0 [sflag:s8], $0x0  }
0x24: {  	s3 =	sadd.s32 $0x88, s3;
	s6 =	simm.s32 @!p1 $0x1082;
	[sflag:s4] =	ssyncset.s32 $0xFFFFF086  }
0x25: {  	[simem:s6], [sflag:s4] =	dma.local [hbm:s3], $0xF7A  }
0x26: {  	[smem:$0x3F9F] =	sst s1;
	(tag) =	ssettag s2;
	_ =	strace s9  }
0x27: {  	s1 =	sld [smem:$0x3FAF]  }
0x28: {  	s2 =	sld [smem:$0x3FB0]  }
0x29: {  	s4 =	sld [smem:$0x3FB2]  }
0x2a: {  	p0 =	seq.s32 s5, $0x0;
	s5 =	sld [smem:$0x3FB3]  }
0x2b: {  	s6 =	sld [smem:$0x3FB4]  }
0x2c: {  	s7 =	sld [smem:$0x3FB5]  }
0x2d: {  	s3 =	simm.s32 $0x108;
	s8 =	sld [smem:$0x3FB6]  }
0x2e: {  	s3 =	simm.s32 @!p0 $0x1082;
	s9 =	sld [smem:$0x3FB7]  }
0x2f: {  	lr =	sadd.s32 s0, s3;
	s0 =	sld [smem:$0x3FAE]  }
0x30: {  	s3 =	sld [smem:$0x3FB1]  }
0x31: {  	[smem:$0x3FBA] =	sst s10  }
0x32: {  	s10 =	sld [smem:$0x3FB8];
	_ =	sdelay $0x3  }
0x33: {  	p0 =	seq.s32 s10, $0x1;
	s10 =	sld [smem:$0x3FBA];
	_ =	sdelay $0x3  }
0x34: {  	[smem:$0x3FBA] =	sst s10  }
0x35: {  	s10 =	sld [smem:$0x3FB9];
	_ =	sdelay $0x3  }
0x36: {  	p1 =	seq.s32 s10, $0x1;
	s10 =	sld [smem:$0x3FBA];
	_ =	sdelay $0x3  }
0x37: {  	[smem:$0x3FBA] =	sst s10  }
0x38: {  	s10 =	sld [smem:$0x3FBB]  }
0x39: {  	_ = 	snop;
	(pc) =	sbr.ind lr, $3  }
0x3a: {  	_ = 	snop  }
0x3b: {  	_ = 	snop  }
0x3c: {  	p2 =	seq.s32 s10, $0x1;
	s10 =	sld [smem:$0x3FBA]  }
0x3d: {  	_ =	shalt  }
0x3e: {  	_ =	shalt  }
0x3f: {  	_ =	shalt  }
0x40: {  	_ =	shalt  }
0x41: {  	_ =	shalt  }
0x42: {  	_ =	shalt  }
0x43: {  	_ =	shalt  }
0x44: {  	_ =	shalt  }
0x45: {  	_ =	shalt  }
0x46: {  	_ =	shalt  }
0x47: {  	_ =	shalt  }
0x48: {  	_ =	shalt  }
0x49: {  	_ =	shalt  }
0x4a: {  	_ =	shalt  }
0x4b: {  	_ =	shalt  }
0x4c: {  	_ =	shalt  }
0x4d: {  	_ =	shalt  }
0x4e: {  	_ =	shalt  }
0x4f: {  	_ =	shalt  }
0x50: {  	_ =	shalt  }
0x51: {  	_ =	shalt  }
0x52: {  	_ =	shalt  }
0x53: {  	_ =	shalt  }
0x54: {  	_ =	shalt  }
0x55: {  	_ =	shalt  }
0x56: {  	_ =	shalt  }
0x57: {  	_ =	shalt  }
0x58: {  	_ =	shalt  }
0x59: {  	_ =	shalt  }
0x5a: {  	_ =	shalt  }
0x5b: {  	_ =	shalt  }
0x5c: {  	_ =	shalt  }
0x5d: {  	_ =	shalt  }
0x5e: {  	_ =	shalt  }
0x5f: {  	_ =	shalt  }
0x60: {  	_ =	shalt  }
0x61: {  	_ =	shalt  }
0x62: {  	_ =	shalt  }
0x63: {  	_ =	shalt  }
0x64: {  	_ =	shalt  }
0x65: {  	_ =	shalt  }
0x66: {  	_ =	shalt  }
0x67: {  	_ =	shalt  }
0x68: {  	_ =	shalt  }
0x69: {  	_ =	shalt  }
0x6a: {  	_ =	shalt  }
0x6b: {  	_ =	shalt  }
0x6c: {  	_ =	shalt  }
0x6d: {  	_ =	shalt  }
0x6e: {  	_ =	shalt  }
0x6f: {  	_ =	shalt  }
0x70: {  	_ =	shalt  }
0x71: {  	_ =	shalt  }
0x72: {  	_ =	shalt  }
0x73: {  	_ =	shalt  }
0x74: {  	_ =	shalt  }
0x75: {  	_ =	shalt  }
0x76: {  	_ =	shalt  }
0x77: {  	_ =	shalt  }
0x78: {  	_ =	shalt  }
0x79: {  	_ =	shalt  }
0x7a: {  	_ =	shalt  }
0x7b: {  	_ =	shalt  }
0x7c: {  	_ =	shalt  }
0x7d: {  	_ =	shalt  }
0x7e: {  	_ =	shalt  }
0x7f: {  	_ =	shalt  }
0x80: {  	_ =	shalt  }
0x81: {  	_ =	shalt  }
0x82: {  	_ =	shalt  }
0x83: {  	_ =	shalt  }
0x84: {  	_ =	shalt  }
0x85: {  	_ =	shalt  }
0x86: {  	_ =	shalt  }
0x87: {  	_ =	shalt  }
.Lfunc_end0:
.L_simem_size_0:
called_computation.1_lowered:
.L_overlay_start_0:
0x88: {  	s2 =	sld [smem:$0x3FD9]  }
0x89: {  	s3 =	sld [smem:$0x3FFE];
	_ =	sdelay $0x1  }
0x8a: {  	s1 =	srdreg.scid  }
0x8b: {  	s0 =	sand.u32 $0x1, s1  }
0x8c: {  	s17 =	sshll.u32 s0, $0xA;
	s2 =	sadd.s32 s3, s2  }
0x8d: {  	s2 =	sadd.s32 s2, s17  }
0x8e: {  	[smem:$0x3FC6] =	sst s2  }
0x8f: {  	_ = 	snop  }
0x90: {  	s2 =	sld [smem:$0x3FC8]  }
0x91: {  	s18 =	sld [smem:$0x3FD0];
	(tm) =	ssettm $0x1  }
0x92: {  	s4 =	sld [smem:$0x3FFB];
	_ =	sdelay $0x3  }
0x93: {  	_ =	strace s4  }
0x94: {  	s4 =	sld [smem:$0x3FFC];
	_ =	sdelay $0x3  }
0x95: {  	_ =	strace s4  }
0x96: {  	s4 =	sld [smem:$0x3FFD];
	_ =	sdelay $0x3  }
0x97: {  	_ =	strace s4  }
0x98: {  	_ =	strace $0x8FFFFFFF  }
0x99: {  	s19 =	sld [smem:$0x3FDB];
	_ =	sdelay $0x1  }
0x9a: {  	s5 =	simm.s32 $_scs_section_size  }
0x9b: {  	s6 =	simm.s32 $_size__tile_overlayer_lowered;
	s7 =	simm.s32 $_tile_overlayer_lowered  }
0x9c: {  	s22 =	simm.s32 $0x1BFF;
	s21 =	sshll.u32 s7, $0x1;
	s4 =	sadd.s32 s5, s19  }
0x9d: {  	s8 =	simm.s32 $0x0;
	s20 =	sshll.u32 s6, $0x1;
	s6 =	sadd.s32 s21, s4  }
0x9e: {  	[timem:s8], [sflag:s22] =	dma.local [hbm:s6], s20  }
0x9f: {  	_ =	swait.ge [sflag:s22], s20  }
0xa0: {  	s5 =	ssub.s32 $0x0, s20;
	[sflag:s22] =	ssyncset.done $0x0  }
0xa1: {  	[sflag:s22] =	ssyncadd.s32 s5;
	_ =	sdelay $0x1  }
0xa2: {  	s23 =	simm.s32 $0x1B8B  }
0xa3: {  	_ =	swait.ge [sflag:s23], $0x1  }
0xa4: {  	[sflag:s23] =	ssyncset.done $0x0  }
0xa5: {  	s25 =	simm.s32 $0x1B8E;
	s24 =	sld [smem:$0x3FFE];
	[sflag:s23] =	ssyncadd.s32 $0xFFFFFFFF  }
0xa6: {  	s26 =	simm.s32 $execute0_lowered;
	[smem:$0x3FD2] =	sst s25  }
0xa7: {  	s6 =	sshll.u32 s26, $0x1;
	_ =	strace $0x8000004C;
	[dreg:$0x1] =	wrdreg $0xFFFFFFFF  }
0xa8: {  	s28 =	simm.s32 $_size_execute0_lowered;
	s4 =	sadd.s32 s4, s6;
	[dreg:$0x0] =	wrdreg $0x0  }
0xa9: {  	s6 =	sshll.u32 s28, $0x1;
	[dreg:$0x2] =	wrdreg s4  }
0xaa: {  	[dreg:$0x3] =	wrdreg s6  }
0xab: {  	[dreg:$0x4] =	wrdreg $0xC0  }
0xac: {  	_ =	task [dreg:s8], $0x5FFFF  }
0xad: {  	[dreg:$0x1] =	wrdreg $0xFFFFFFFF  }
0xae: {  	[dreg:$0x0] =	wrdreg $0x60  }
0xaf: {  	[dreg:$0x2] =	wrdreg s24  }
0xb0: {  	[dreg:$0x3] =	wrdreg s2  }
0xb1: {  	[dreg:$0x4] =	wrdreg s18  }
0xb2: {  	[dreg:$0x5] =	wrdreg $0x9C000  }
0xb3: {  	[dreg:$0x6] =	wrdreg $0x9E800  }
0xb4: {  	[dreg:$0x7] =	wrdreg $0x9  }
0xb5: {  	_ =	task.clear_ibuf [dreg:s8], $0x8FFFF;
	_ =	strace $0x9000004C  }
0xb6: {  	s29 =	simm.s32 $0x9;
	_ =	strace $0x80000050  }
0xb7: {  	_ =	swait.ge [sflag:s29], $0x1  }
0xb8: {  	[sflag:s29] =	ssyncadd.s32 $0xFFFFFFFF  }
0xb9: {  	_ =	strace $0x90000050  }
0xba: {  	_ =	sfence  }
0xbb: {  	s30 =	sld [smem:$0x0];
	_ =	sdelay $0x2  }
0xbc: {  	s31 =	sshll.u32 s1, $0xD;
	s1 =	sshrl.u32 s1, $0x2  }
0xbd: {  	s3 =	sand.u32 $0x4000, s31;
	s1 =	sadd.s32 s1, s30  }
0xbe: {  	s0 =	sor.u32 s3, s0;
	s1 =	sshll.u32 s1, $0x11  }
0xbf: {  	s0 =	sor.u32 s1, s0  }
0xc0: {  	s0 =	sadd.s32 $0x8F2B, s0  }
0xc1: {  	[sflag:s0] =	ssyncadd.remote.s32 $0x1  }
0xc2: {  	_ =	sfence.sel $0xFFFF  }
0xc3: {  	[dreg:$0x0] =	wrdreg $0xFFFFFFFF;
	(pc) =	sbr.abs _section_cstart, $3  }
0xc4: {  	[dreg:$0x1] =	wrdreg $0xFFFFFFFF  }
0xc5: {  	_ =	task.clear_ibuf [dreg:s8], $0x2FFFF;
	_ =	strace $0x9FFFFFFF  }
0xc6: {  	(tm) =	ssettm $0x7FFFFFFF  }
0xc7: {  	_ =	shalt  }
tec
execute0_lowered:
.L_overlay_start_1:
0x0: {  	(tag) =	ssettag $0x1  }
0x1: {  	s0 =	rddreg [dreg:$0x0]  }
0x2: {  	s2 =	rddreg [dreg:$0x1]  }
0x3: {  	s14 =	rddreg [dreg:$0x2]  }
0x4: {  	s1 =	rddreg [dreg:$0x3]  }
0x5: {  	s3 =	rddreg [dreg:$0x4];
	s5 =	srdreg.scid  }
0x6: {  	s4 =	simm.s32 $0x0;
	s7 =	stileid.u32;
	s19 =	simm.s32 $0x6  }
0x7: {  	s20 =	simm.s32 $0x1;
	s22 =	simm.s32 $0x3;
	s26 =	simm.s32 $0x4  }
0x8: {  	s29 =	simm.s32 $0x5;
	s18 =	simm.s32 $0x100;
	s21 =	simm.s32 $0x2  }
0x9: {  	s23 =	simm.s32 $0x7900;
	s24 =	simm.s32 $0x8300;
	s5 =	sand.u32 $0x1, s5  }
0xa: {  	[smem:$0x7FF] =	sst s4;
	s11 =	smul.u32 $0x280, s7;
	s6 =	sshll.u32 s5, $0x4  }
0xb: {  	s25 =	simm.s32 $0x0;
	_ =	strace $0x8000004D;
	s16 =	sor.u32 s7, s6  }
0xc: {  	s5 =	ssub.s32 $0x2, s5;
	s28 =	sshrl.u32 s11, $0x3;
	s8 =	smul.u32 $0x4E0, s16  }
0xd: {  	s30 =	sshrl.u32 s5, $0x1;
	s7 =	sadd.s32 $0x9C00, s2;
	s10 =	smul.u32 $0x1380, s16  }
.Ltmp0:
0xe: {  	s0 =	sadd.s32 s28, s0;
	s15 =	ssub.s32 s5, s30;
	(pc) =	sbr.rel .LBB2_1-.Ltmp0, $4  }
0xf: {  	p0 =	sne.s32 s16, $0x1F;
	s6 =	sadd.s32 $0x1600, s0;
	s9 =	sadd.s32 $0x1100, s0  }
0x10: {  	s15 =	smax.u32 s15, $0x1;
	s5 =	sadd.s32 s2, s8;
	s31 =	sshrl.u32 s10, $0x3  }
0x11: {  	s8 =	sadd.s32 $0xC00, s0;
	s10 =	sadd.s32 s11, s1;
	s12 =	sadd.s32 s14, s31  }
0x12: {  	s11 =	sadd.s32 s11, s3;
	s14 =	sadd.s32 $0x4E00, s14;
	s13 =	sadd.s32 $0x140, s12  }
.LBB2_22:
0x13: {  	v0 =	vmul.f32 v4, v0  }
0x14: {  	[tilespmem:s2+$0x10] =	vst v6;
	v1 =	vmul.f32 v3, v1  }
0x15: {  	v63 =	vmul.f32 v2, v5;
	[tilespmem:s2+$0xFFFFFFF0] =	vst v0  }
0x16: {  	[tilespmem:s2+$0x0] =	vst v1  }
0x17: {  	s0 =	simm.s32 $0x8E80;
	[tilespmem:s2+$0xFFFFFFE0] =	vst v63  }
0x18: {  	[hbm4b:s14+s4] =	stream.linear.scatter [tilespmem:s0], [sflag:$0x6], $0x100, $0x200038;
	[tilespmem:$0xA100] =	vst v63  }
0x19: {  	_ =	swait.ge [sflag:s19], $0x100  }
0x1a: {  	[sflag:s19] =	ssyncset.done $0x0  }
0x1b: {  	[sflag:s19] =	ssyncadd.s32 $0xFFFFFF00  }
.LBB2_23:
0x1c: {  	s25 =	sadd.s32 $0x1, s25  }
0x1d: {  	p1 =	sne.s32 s25, s15  }
.Ltmp1:
0x1e: {  	_ = 	snop;
	(pc) =	sbr.rel @!p1 .LBB2_24-.Ltmp1, $2  }
0x1f: {  	_ =	sdelay $0x2  }
0x20: {  	_ =	strace $0x9000004F  }
.LBB2_1:
0x21: {  	_ =	strace $0x8000004E  }
0x22: {  	[tilespmem:s4], [sflag:$0x3] =	stream.linear.gather [hbm4b:s5+s4], $0x2700, $0x200038;
	[tilespmem:$0xA100] =	vst v63  }
0x23: {  	s0 =	simm.s32 $0x9980  }
0x24: {  	[tilespmem:s0], [sflag:$0x4] =	stream.linear.gather [hbm4b:s6+s4], $0x280, $0x200038;
	[tilespmem:$0xA100] =	vst v63  }
0x25: {  	s2 =	simm.s32 @!p0 $0x2700;
	s0 =	simm.s32 @!p0 $0x0  }
0x26: {  	[tilespmem:s2], [sflag:$0x5] =	stream.linear.gather @!p0 [hbm4b:s7+s0], $0x200, $0x200038;
	[tilespmem:$0xA100] =	vst v63  }
0x27: {  	s17 =	simm.s32 $0x8F80  }
0x28: {  	[tilespmem:s17], [sflag:$0x1] =	stream.linear.gather [hbm4b:s8+s4], $0x280, $0x200038;
	[tilespmem:$0xA100] =	vst v63  }
0x29: {  	s2 =	simm.s32 $0x9200  }
0x2a: {  	[tilespmem:s2], [sflag:$0x6] =	stream.linear.gather [hbm4b:s9+s4], $0x280, $0x200038;
	[tilespmem:$0xA100] =	vst v63  }
0x2b: {  	_ =	swait.ge [sflag:s19], $0x280  }
0x2c: {  	[sflag:s19] =	ssyncset.done $0x0  }
0x2d: {  	[sflag:s19] =	ssyncadd.s32 $0xFFFFFD80  }
0x2e: {  	_ =	swait.ge [sflag:s20], $0x280  }
0x2f: {  	[sflag:s20] =	ssyncset.done $0x0  }
0x30: {  	s16 =	simm.s32 $0x9220;
	[sflag:s20] =	ssyncadd.s32 $0xFFFFFD80  }
0x31: {  	s17 =	simm.s32 $0x8FA0;
	v0 =	vld [tilespmem:s16+$0xFFFFFFE0]  }
0x32: {  	v1 =	vld [tilespmem:s17+$0xFFFFFFE0];
	_ =	sdelay $0x3  }
0x33: {  	v2 =	vld [tilespmem:s16+$0x10]  }
0x34: {  	v3 =	vld [tilespmem:s17+$0x10];
	v1 =	vadd.f32 v0, v1  }
0x35: {  	v5 =	vld [tilespmem:s17+$0xFFFFFFF0]  }
0x36: {  	v0 =	vld [tilespmem:s16+$0xFFFFFFF0];
	v4 =	vshra.s32 v1, $0x1;
	v6 =	vmul.f32 $5.000000000e-01, v1  }
0x37: {  	v7 =	vsub.s32 $0x5F3759DF, v4  }
0x38: {  	v8 =	vld [tilespmem:s16+$0x0];
	v4 =	vmul.f32 v7, v6  }
0x39: {  	v9 =	vld [tilespmem:s17+$0x0]  }
0x3a: {  	v2 =	vadd.f32 v2, v3;
	v4 =	vmul.f32 v7, v4  }
0x3b: {  	v0 =	vadd.f32 v0, v5  }
0x3c: {  	v10 =	vshra.s32 v2, $0x1;
	v3 =	vsub.f32 $1.500000000e+00, v4  }
0x3d: {  	v5 =	vmul.f32 $5.000000000e-01, v2;
	v11 =	vshra.s32 v0, $0x1;
	v4 =	vmul.f32 $5.000000000e-01, v0  }
0x3e: {  	v7 =	vmul.f32 v7, v3;
	v3 =	vadd.f32 v8, v9;
	v9 =	vsub.s32 $0x5F3759DF, v11  }
0x3f: {  	s17 =	simm.s32 $0x8FE0;
	v10 =	vsub.s32 $0x5F3759DF, v10;
	v11 =	vmul.f32 v9, v4  }
0x40: {  	v16 =	vld [tilespmem:s17+$0xFFFFFFE0];
	s16 =	simm.s32 $0x9260;
	v13 =	vmul.f32 v10, v5;
	v12 =	vmul.f32 v7, v6  }
0x41: {  	v15 =	vld [tilespmem:s16+$0xFFFFFFE0];
	v14 =	vshra.s32 v3, $0x1;
	v8 =	vmul.f32 $5.000000000e-01, v3;
	v11 =	vmul.f32 v9, v11  }
0x42: {  	v13 =	vmul.f32 v10, v13;
	v14 =	vsub.s32 $0x5F3759DF, v14;
	v12 =	vmul.f32 v12, v7  }
0x43: {  	v17 =	vmul.f32 v14, v8;
	v11 =	vsub.f32 $1.500000000e+00, v11  }
0x44: {  	v20 =	vld [tilespmem:s17+$0x10];
	v19 =	vsub.f32 $1.500000000e+00, v13;
	v12 =	vsub.f32 $1.500000000e+00, v12  }
0x45: {  	v18 =	vld [tilespmem:s16+$0x10];
	v17 =	vmul.f32 v14, v17;
	v9 =	vmul.f32 v9, v11  }
0x46: {  	v11 =	vmul.f32 v10, v19;
	v10 =	vadd.f32 v15, v16;
	v13 =	vmul.f32 v12, v7  }
0x47: {  	v19 =	vld [tilespmem:s17+$0xFFFFFFF0];
	v12 =	vsub.f32 $1.500000000e+00, v17  }
0x48: {  	v7 =	vld [tilespmem:s16+$0xFFFFFFF0];
	v17 =	vmul.f32 $5.000000000e-01, v10;
	v6 =	vmul.f32 v13, v6  }
0x49: {  	v25 =	vmul.f32 v11, v5;
	v14 =	vmul.f32 v14, v12;
	v12 =	vshra.s32 v10, $0x1  }
0x4a: {  	v21 =	vld [tilespmem:s16+$0x0];
	v23 =	vsub.s32 $0x5F3759DF, v12;
	v22 =	vmul.f32 v6, v13;
	v6 =	vadd.f32 v18, v20  }
0x4b: {  	v12 =	vld [tilespmem:s17+$0x0];
	v25 =	vmul.f32 v25, v11;
	v20 =	vmul.f32 v23, v17  }
0x4c: {  	v18 =	vmul.f32 v14, v8;
	v24 =	vshra.s32 v6, $0x1;
	v15 =	vmul.f32 $5.000000000e-01, v6  }
0x4d: {  	v7 =	vadd.f32 v7, v19;
	v19 =	vmul.f32 v23, v20;
	v26 =	vsub.s32 $0x5F3759DF, v24  }
0x4e: {  	v20 =	vsub.f32 $1.500000000e+00, v22;
	v22 =	vmul.f32 v18, v14;
	v27 =	vmul.f32 v26, v15  }
0x4f: {  	v24 =	vshra.s32 v7, $0x1;
	v18 =	vmul.f32 $5.000000000e-01, v7;
	v19 =	vsub.f32 $1.500000000e+00, v19  }
0x50: {  	v12 =	vadd.f32 v21, v12;
	v24 =	vsub.s32 $0x5F3759DF, v24;
	v21 =	vmul.f32 v26, v27  }
0x51: {  	v27 =	vsub.f32 $1.500000000e+00, v22;
	v23 =	vmul.f32 v23, v19;
	v22 =	vmul.f32 v24, v18  }
0x52: {  	v16 =	vmul.f32 v9, v4;
	v25 =	vsub.f32 $1.500000000e+00, v25;
	v28 =	vsub.f32 $1.500000000e+00, v21  }
0x53: {  	v21 =	vshra.s32 v12, $0x1;
	v29 =	vmul.f32 v23, v17;
	v30 =	vmul.f32 v24, v22  }
0x54: {  	s28 =	simm.s32 $0x94A0;
	s31 =	simm.s32 $0x4;
	v19 =	vmul.f32 $5.000000000e-01, v12;
	v14 =	vmul.f32 v27, v14;
	v21 =	vsub.s32 $0x5F3759DF, v21  }
0x55: {  	s30 =	simm.s32 $0x94A0;
	s0 =	simm.s32 $0x92A0;
	s2 =	simm.s32 $0x9020;
	v22 =	vmul.f32 v26, v28;
	v26 =	vmul.f32 v29, v23;
	v27 =	vsub.f32 $1.500000000e+00, v30  }
.LBB2_2:
0x56: {  	v28 =	vld [tilespmem:s0+$0xFFFFFFE0];
	s31 =	sadd.s32 $0x4, s31;
	v29 =	vmul.f32 v21, v19;
	vm0 =	vgt.f32 v1, $5.000000000e-01;
	v16 =	vmul.f32 v16, v9;
	s28 =	sadd.s32 $0x40, s28;
	v1 =	vmovc v10  }
0x57: {  	v20 =	vmul.f32 v20, v13;
	v30 =	vld [tilespmem:s0+$0x10];
	p1 =	slt.u32 s31, $0x24;
	v10 =	vsub.f32 $1.500000000e+00, v26;
	v24 =	vmul.f32 v24, v27  }
0x58: {  	v25 =	vmul.f32 v25, v11;
	v11 =	vmovc v22;
	v26 =	vld [tilespmem:s0+$0x0];
	v27 =	vmul.f32 v21, v29;
	v29 =	vsub.f32 $1.500000000e+00, v16  }
0x59: {  	v22 =	vld [tilespmem:s2+$0xFFFFFFE0];
	v13 =	vmul.f32 v10, v23;
	v16 =	vmul.f32 v24, v18;
	v10 =	vnsel vm0, $0x0, v20  }
0x5a: {  	v23 =	vld [tilespmem:s0+$0xFFFFFFF0];
	v20 =	vsub.f32 $1.500000000e+00, v27;
	[tilespmem:s30+$0xFFFFFFE0] =	vst v10;
	v27 =	vmul.f32 v29, v9;
	v10 =	vmul.f32 v25, v5;
	v9 =	vmovc v24  }
0x5b: {  	vm1 =	vgt.f32 v2, $5.000000000e-01;
	v2 =	vmovc v6;
	v29 =	vmul.f32 v14, v8;
	v5 =	vmovc v15;
	v24 =	vld [tilespmem:s2+$0xFFFFFFF0];
	v17 =	vmul.f32 v13, v17  }
0x5c: {  	vm0 =	vgt.f32 v3, $5.000000000e-01;
	v3 =	vmovc v12;
	v6 =	vld [tilespmem:s2+$0x10];
	v31 =	vmul.f32 v21, v20;
	v15 =	vmul.f32 v27, v4;
	v4 =	vmovc v18  }
0x5d: {  	vm2 =	vgt.f32 v0, $5.000000000e-01;
	v0 =	vmovc v7;
	v8 =	vmovc v19;
	v18 =	vmul.f32 v10, v25;
	v12 =	vld [tilespmem:s2+$0x0];
	v17 =	vmul.f32 v17, v13  }
0x5e: {  	v10 =	vadd.f32 v28, v22;
	v19 =	vmul.f32 v31, v8;
	v7 =	vmul.f32 v15, v27  }
0x5f: {  	v21 =	vmul.f32 v11, v5;
	v15 =	vmul.f32 v29, v14;
	v20 =	vsub.f32 $1.500000000e+00, v17  }
0x60: {  	v22 =	vshra.s32 v10, $0x1;
	v17 =	vmul.f32 $5.000000000e-01, v10;
	v28 =	vsub.f32 $1.500000000e+00, v7  }
0x61: {  	v18 =	vsub.f32 $1.500000000e+00, v18;
	v22 =	vsub.s32 $0x5F3759DF, v22;
	v6 =	vadd.f32 v30, v6  }
0x62: {  	v7 =	vadd.f32 v23, v24;
	v29 =	vmul.f32 v22, v17;
	v23 =	vmul.f32 v28, v27  }
0x63: {  	v19 =	vmul.f32 v19, v31;
	v27 =	vsub.f32 $1.500000000e+00, v15;
	v24 =	vshra.s32 v6, $0x1  }
0x64: {  	v25 =	vmul.f32 v18, v25;
	v28 =	vshra.s32 v7, $0x1;
	v15 =	vmul.f32 $5.000000000e-01, v6  }
0x65: {  	v30 =	vsub.f32 $1.500000000e+00, v19;
	v18 =	vmul.f32 v22, v29;
	v29 =	vsub.s32 $0x5F3759DF, v24  }
0x66: {  	v12 =	vadd.f32 v26, v12;
	v23 =	vnsel vm2, $0x0, v23;
	v19 =	vmul.f32 v29, v15  }
0x67: {  	v24 =	vsub.s32 $0x5F3759DF, v28;
	v26 =	vsub.f32 $1.500000000e+00, v18;
	v18 =	vmul.f32 $5.000000000e-01, v7;
	[tilespmem:s30+$0xFFFFFFF0] =	vst v23  }
0x68: {  	v33 =	vmul.f32 v21, v11;
	v28 =	vshra.s32 v12, $0x1;
	v32 =	vmul.f32 v29, v19  }
.Ltmp2:
0x69: {  	v23 =	vmul.f32 v22, v26;
	v21 =	vmul.f32 v24, v18;
	v22 =	vnsel vm1, $0x0, v25;
	(pc) =	sbr.rel @p1 .LBB2_2-.Ltmp2, $4  }
0x6a: {  	v19 =	vmul.f32 $5.000000000e-01, v12;
	v26 =	vmul.f32 v27, v14;
	v25 =	vsub.f32 $1.500000000e+00, v32;
	[tilespmem:s30+$0x10] =	vst v22  }
0x6b: {  	v27 =	vmul.f32 v23, v17;
	v32 =	vmul.f32 v24, v21;
	v21 =	vsub.s32 $0x5F3759DF, v28  }
0x6c: {  	v14 =	vmul.f32 v30, v31;
	v28 =	vnsel vm0, $0x0, v26;
	v22 =	vmul.f32 v29, v25  }
0x6d: {  	s0 =	sadd.s32 $0x40, s0;
	s2 =	sadd.s32 $0x40, s2;
	v25 =	vsub.f32 $1.500000000e+00, v33;
	v26 =	vmul.f32 v27, v23;
	v27 =	vsub.f32 $1.500000000e+00, v32;
	[tilespmem:s30+$0x0] =	vst v28;
	s30 =	smov.u32 s28  }
0x6e: {  	v28 =	vmul.f32 v21, v19;
	v16 =	vmul.f32 v16, v9  }
0x6f: {  	v13 =	vmul.f32 v20, v13;
	vm0 =	vgt.f32 v1, $5.000000000e-01;
	v1 =	vmul.f32 v14, v8  }
0x70: {  	v58 =	vmul.f32 v22, v15;
	v53 =	vmul.f32 v21, v28  }
0x71: {  	v26 =	vsub.f32 $1.500000000e+00, v26;
	v24 =	vmul.f32 v24, v27;
	v16 =	vsub.f32 $1.500000000e+00, v16  }
0x72: {  	v11 =	vmul.f32 v25, v11;
	v1 =	vmul.f32 v1, v14;
	v20 =	vsub.f32 $1.500000000e+00, v53  }
0x73: {  	v23 =	vmul.f32 v26, v23;
	v55 =	vmul.f32 v16, v9  }
0x74: {  	v54 =	vmul.f32 v24, v18;
	v57 =	vmul.f32 v21, v20  }
0x75: {  	vm11 =	vgt.f32 v2, $5.000000000e-01;
	v5 =	vmul.f32 v11, v5;
	v4 =	vmul.f32 v55, v4  }
0x76: {  	vm1 =	vgt.f32 v3, $5.000000000e-01;
	v59 =	vmul.f32 v54, v24;
	v2 =	vmul.f32 v57, v19  }
0x77: {  	vm2 =	vgt.f32 v0, $5.000000000e-01;
	v3 =	vmul.f32 v4, v55;
	v4 =	vmul.f32 v58, v22  }
0x78: {  	v1 =	vsub.f32 $1.500000000e+00, v1;
	v60 =	vsub.f32 $1.500000000e+00, v59;
	v2 =	vmul.f32 v2, v57  }
0x79: {  	v56 =	vmul.f32 v23, v17;
	v5 =	vmul.f32 v5, v11;
	v4 =	vsub.f32 $1.500000000e+00, v4  }
0x7a: {  	v1 =	vmul.f32 v1, v14;
	v17 =	vmul.f32 v60, v24;
	v2 =	vsub.f32 $1.500000000e+00, v2  }
0x7b: {  	v16 =	vmul.f32 v56, v23;
	v3 =	vsub.f32 $1.500000000e+00, v3;
	v4 =	vmul.f32 v4, v22  }
0x7c: {  	vm12 =	vgt.f32 v10, $5.000000000e-01;
	v0 =	vmul.f32 v2, v57;
	v2 =	vmul.f32 v17, v18  }
0x7d: {  	v5 =	vsub.f32 $1.500000000e+00, v5;
	v3 =	vmul.f32 v3, v55;
	v61 =	vmul.f32 v4, v15  }
0x7e: {  	v13 =	vnsel vm0, $0x0, v13;
	v63 =	vmul.f32 v0, v19;
	v2 =	vmul.f32 v2, v17  }
0x7f: {  	v5 =	vmul.f32 v5, v11;
	v62 =	vsub.f32 $1.500000000e+00, v16;
	v8 =	vmul.f32 v61, v4  }
0x80: {  	[tilespmem:s30+$0xFFFFFFE0] =	vst v13;
	v3 =	vnsel vm2, $0x0, v3;
	v11 =	vmul.f32 v63, v0;
	v2 =	vsub.f32 $1.500000000e+00, v2  }
0x81: {  	v5 =	vnsel vm11, $0x0, v5;
	[tilespmem:s30+$0xFFFFFFF0] =	vst v3;
	v3 =	vmul.f32 v62, v23;
	v8 =	vsub.f32 $1.500000000e+00, v8  }
0x82: {  	v1 =	vnsel vm1, $0x0, v1;
	[tilespmem:s30+$0x10] =	vst v5;
	v2 =	vmul.f32 v2, v17;
	v5 =	vsub.f32 $1.500000000e+00, v11  }
0x83: {  	s0 =	sadd.s32 $0x40, s28;
	vm13 =	vgt.f32 v7, $5.000000000e-01;
	[tilespmem:s30+$0x0] =	vst v1;
	v1 =	vnsel vm12, $0x0, v3;
	v3 =	vmul.f32 v8, v4  }
0x84: {  	vm14 =	vgt.f32 v6, $5.000000000e-01;
	[tilespmem:s0+$0xFFFFFFE0] =	vst v1;
	v1 =	vnsel vm13, $0x0, v2;
	v0 =	vmul.f32 v5, v0  }
0x85: {  	vm15 =	vgt.f32 v12, $5.000000000e-01;
	[tilespmem:s0+$0xFFFFFFF0] =	vst v1;
	v1 =	vnsel vm14, $0x0, v3  }
0x86: {  	[tilespmem:s0+$0x10] =	vst v1;
	v0 =	vnsel vm15, $0x0, v0  }
0x87: {  	s31 =	simm.s32 $0x9480;
	[tilespmem:s0+$0x0] =	vst v0  }
0x88: {  	[spmem:s10] =	stream.linear.scatter [tilespmem:s31], [sflag:$0x6], $0x280, $0x200038;
	[tilespmem:$0xA100] =	vst v63  }
0x89: {  	_ =	swait.ge [sflag:s19], $0x280  }
0x8a: {  	[sflag:s19] =	ssyncset.done $0x0  }
0x8b: {  	[sflag:s19] =	ssyncadd.s32 $0xFFFFFD80  }
0x8c: {  	[bflag:$0x0] =	sbarrier.arrive $0xFFFF  }
0x8d: {  	_ =	swait.ge [sflag:s22], $0x2700  }
0x8e: {  	[sflag:s22] =	ssyncset.done $0x0  }
0x8f: {  	s16 =	simm.s32 $0xF0;
	[sflag:s22] =	ssyncadd.s32 $0xFFFFD900  }
0x90: {  	v3 =	vld [tilespmem:s16+$0x0]  }
0x91: {  	v4 =	vld [tilespmem:s16+$0xFFFFFFA0]  }
0x92: {  	v5 =	vld [tilespmem:s16+$0xFFFFFFB0]  }
0x93: {  	v0 =	vld [tilespmem:s16+$0xFFFFFFC0]  }
0x94: {  	s0 =	simm.s32 $0x3CC0;
	v1 =	vld [tilespmem:s16+$0xFFFFFFD0]  }
0x95: {  	v2 =	vld [tilespmem:s16+$0xFFFFFFE0];
	[tilespmem:s0+$0x30] =	vst v3  }
0x96: {  	[tilespmem:s0+$0xFFFFFFD0] =	vst v4;
	v3 =	vld [tilespmem:s16+$0xFFFFFFF0]  }
0x97: {  	s2 =	simm.s32 $0x0;
	v4 =	vld [tilespmem:s16+$0xFFFFFF90];
	[tilespmem:s0+$0xFFFFFFE0] =	vst v5;
	s16 =	simm.s32 $0x1F0  }
.LBB2_4:
0x98: {  	v5 =	vld [tilespmem:s16+$0x0];
	s2 =	sadd.s32 $0x8, s2;
	[tilespmem:s0+$0xFFFFFFF0] =	vst v0  }
0x99: {  	v6 =	vld [tilespmem:s16+$0xFFFFFFA0];
	p1 =	slt.u32 s2, $0x130;
	[tilespmem:s0+$0x0] =	vst v1  }
0x9a: {  	v7 =	vld [tilespmem:s16+$0xFFFFFFB0];
	[tilespmem:s0+$0x10] =	vst v2  }
.Ltmp3:
0x9b: {  	v0 =	vld [tilespmem:s16+$0xFFFFFFC0];
	[tilespmem:s0+$0x20] =	vst v3;
	(pc) =	sbr.rel @p1 .LBB2_4-.Ltmp3, $4  }
0x9c: {  	v1 =	vld [tilespmem:s16+$0xFFFFFFD0];
	[tilespmem:s0+$0xFFFFFFC0] =	vst v4;
	s0 =	sadd.s32 $0x80, s0  }
0x9d: {  	v2 =	vld [tilespmem:s16+$0xFFFFFFE0];
	[tilespmem:s0+$0x30] =	vst v5  }
0x9e: {  	[tilespmem:s0+$0xFFFFFFD0] =	vst v6;
	v3 =	vld [tilespmem:s16+$0xFFFFFFF0]  }
0x9f: {  	v4 =	vld [tilespmem:s16+$0xFFFFFF90];
	[tilespmem:s0+$0xFFFFFFE0] =	vst v7;
	s16 =	sadd.s32 $0x100, s16  }
0xa0: {  	[tilespmem:s0+$0xFFFFFFF0] =	vst v0  }
0xa1: {  	[tilespmem:s0+$0x0] =	vst v1  }
0xa2: {  	[tilespmem:s0+$0x10] =	vst v2  }
0xa3: {  	s30 =	simm.s32 $0x1380;
	[tilespmem:s0+$0x20] =	vst v3  }
0xa4: {  	s2 =	simm.s32 $0x3C80;
	s16 =	simm.s32 $0x6580;
	s31 =	simm.s32 $0x40;
	[tilespmem:s0+$0xFFFFFFC0] =	vst v4  }
0xa5: {  	[tilespmem:s16], [sflag:$0x2] =	stream.indirect.gather [spmem:s1], $0x1, s2, s30, $0x2000b8;
	[tilespmem:$0xA100] =	vst v63  }
0xa6: {  	v3 =	vld [tilespmem:s31+$0x30]  }
0xa7: {  	v4 =	vld [tilespmem:s31+$0xFFFFFFD0]  }
0xa8: {  	v5 =	vld [tilespmem:s31+$0xFFFFFFE0]  }
0xa9: {  	v0 =	vld [tilespmem:s31+$0xFFFFFFF0]  }
0xaa: {  	s0 =	simm.s32 $0x2940;
	v1 =	vld [tilespmem:s31+$0x0]  }
0xab: {  	v2 =	vld [tilespmem:s31+$0x10];
	[tilespmem:s0+$0x30] =	vst v3  }
0xac: {  	[tilespmem:s0+$0xFFFFFFD0] =	vst v4;
	v3 =	vld [tilespmem:s31+$0x20]  }
0xad: {  	s2 =	simm.s32 $0x0;
	s16 =	simm.s32 $0x140;
	v4 =	vld [tilespmem:s31+$0xFFFFFFC0];
	[tilespmem:s0+$0xFFFFFFE0] =	vst v5  }
.LBB2_6:
0xae: {  	v5 =	vld [tilespmem:s16+$0x30];
	s2 =	sadd.s32 $0x8, s2;
	[tilespmem:s0+$0xFFFFFFF0] =	vst v0  }
0xaf: {  	v6 =	vld [tilespmem:s16+$0xFFFFFFD0];
	p1 =	slt.u32 s2, $0x130;
	[tilespmem:s0+$0x0] =	vst v1  }
0xb0: {  	v7 =	vld [tilespmem:s16+$0xFFFFFFE0];
	[tilespmem:s0+$0x10] =	vst v2  }
.Ltmp4:
0xb1: {  	v0 =	vld [tilespmem:s16+$0xFFFFFFF0];
	[tilespmem:s0+$0x20] =	vst v3;
	(pc) =	sbr.rel @p1 .LBB2_6-.Ltmp4, $4  }
0xb2: {  	v1 =	vld [tilespmem:s16+$0x0];
	[tilespmem:s0+$0xFFFFFFC0] =	vst v4;
	s0 =	sadd.s32 $0x80, s0  }
0xb3: {  	v2 =	vld [tilespmem:s16+$0x10];
	[tilespmem:s0+$0x30] =	vst v5  }
0xb4: {  	[tilespmem:s0+$0xFFFFFFD0] =	vst v6;
	v3 =	vld [tilespmem:s16+$0x20]  }
0xb5: {  	v4 =	vld [tilespmem:s16+$0xFFFFFFC0];
	[tilespmem:s0+$0xFFFFFFE0] =	vst v7;
	s16 =	sadd.s32 $0x100, s16  }
0xb6: {  	[tilespmem:s0+$0xFFFFFFF0] =	vst v0  }
0xb7: {  	[tilespmem:s0+$0x0] =	vst v1  }
0xb8: {  	[tilespmem:s0+$0x10] =	vst v2  }
0xb9: {  	[tilespmem:s0+$0x20] =	vst v3  }
0xba: {  	[tilespmem:s0+$0xFFFFFFC0] =	vst v4  }
0xbb: {  	_ =	swait.ge [sflag:s26], $0x280  }
0xbc: {  	[sflag:s26] =	ssyncset.done $0x0  }
0xbd: {  	s16 =	simm.s32 $0x94A0;
	[sflag:s26] =	ssyncadd.s32 $0xFFFFFD80  }
0xbe: {  	s0 =	simm.s32 $0x99A0;
	v5 =	vld [tilespmem:s16+$0x10]  }
0xbf: {  	v6 =	vld [tilespmem:s0+$0x10]  }
0xc0: {  	v2 =	vld [tilespmem:s0+$0xFFFFFFE0]  }
0xc1: {  	v0 =	vld [tilespmem:s16+$0xFFFFFFF0]  }
0xc2: {  	v4 =	vld [tilespmem:s0+$0xFFFFFFF0]  }
0xc3: {  	v1 =	vld [tilespmem:s16+$0x0]  }
0xc4: {  	v3 =	vld [tilespmem:s0+$0x0];
	v6 =	vmul.f32 v6, v5  }
0xc5: {  	s2 =	simm.s32 $0x9720;
	s28 =	simm.s32 $0x0;
	v5 =	vld [tilespmem:s16+$0xFFFFFFE0];
	s16 =	simm.s32 $0x94E0  }
.LBB2_8:
0xc6: {  	v7 =	vld [tilespmem:s16+$0x10];
	[tilespmem:s2+$0x10] =	vst v6;
	s0 =	sadd.s32 $0x40, s0  }
0xc7: {  	s28 =	sadd.s32 $0x4, s28;
	v6 =	vld [tilespmem:s0+$0x10];
	v4 =	vmul.f32 v4, v0  }
0xc8: {  	p1 =	slt.u32 s28, $0x24;
	v8 =	vld [tilespmem:s0+$0xFFFFFFE0]  }
.Ltmp5:
0xc9: {  	v0 =	vld [tilespmem:s16+$0xFFFFFFF0];
	[tilespmem:s2+$0xFFFFFFF0] =	vst v4;
	v3 =	vmul.f32 v3, v1;
	(pc) =	sbr.rel @p1 .LBB2_8-.Ltmp5, $4  }
0xca: {  	v4 =	vld [tilespmem:s0+$0xFFFFFFF0];
	v9 =	vmul.f32 v2, v5  }
0xcb: {  	v1 =	vld [tilespmem:s16+$0x0];
	[tilespmem:s2+$0x0] =	vst v3  }
0xcc: {  	v3 =	vld [tilespmem:s0+$0x0];
	v6 =	vmul.f32 v6, v7;
	[tilespmem:s2+$0xFFFFFFE0] =	vst v9  }
0xcd: {  	s2 =	sadd.s32 $0x40, s2;
	v5 =	vld [tilespmem:s16+$0xFFFFFFE0];
	s16 =	sadd.s32 $0x40, s16;
	v2 =	vmov v8  }
0xce: {  	_ =	sdelay $0x1  }
0xcf: {  	v0 =	vmul.f32 v4, v0  }
0xd0: {  	[tilespmem:s2+$0x10] =	vst v6;
	v1 =	vmul.f32 v3, v1  }
0xd1: {  	[tilespmem:s2+$0xFFFFFFF0] =	vst v0;
	v63 =	vmul.f32 v2, v5  }
0xd2: {  	[tilespmem:s2+$0x0] =	vst v1  }
.Ltmp6:
0xd3: {  	s0 =	simm.s32 $0x9700;
	[tilespmem:s2+$0xFFFFFFE0] =	vst v63;
	(pc) =	sbr.rel @p0 .LBB2_14-.Ltmp6, $4  }
0xd4: {  	[spmem:s11] =	stream.linear.scatter [tilespmem:s0], [sflag:$0x6], $0x280, $0x200038;
	[tilespmem:$0xA100] =	vst v63  }
0xd5: {  	_ =	swait.ge [sflag:s19], $0x280  }
0xd6: {  	[sflag:s19] =	ssyncset.done $0x0  }
0xd7: {  	[sflag:s19] =	ssyncadd.s32 $0xFFFFFD80  }
0xd8: {  	_ =	swait.ge [sflag:s29], $0x200  }
0xd9: {  	s0 =	simm.s32 $0x0;
	p1 =	por $0x1, $0x1;
	[sflag:s29] =	ssyncset.done $0x0  }
0xda: {  	p2 =	por $0x1, $0x1;
	s2 =	simm.s32 $0x0;
	[sflag:s29] =	ssyncadd.s32 $0xFFFFFE00  }
.LBB2_11:
0xdb: {  	s16 =	sshll.u32 s2, $0x5  }
0xdc: {  	s16 =	sand.u32 $0x3FFFFFE0, s16  }
0xdd: {  	v0 =	vld [tilespmem:s16+$0x2700]  }
0xde: {  	v1 =	vld [tilespmem:s16+$0x2710]  }
0xdf: {  	v2 =	vld [tilespmem:s16+$0x2720]  }
0xe0: {  	s31 =	sshll.u32 s2, $0x4;
	v3 =	vld [tilespmem:s16+$0x2730]  }
0xe1: {  	s2 =	sand.u32 $0x3FFFFFF0, s31;
	v4 =	vld [tilespmem:s16+$0x2740]  }
0xe2: {  	v61 =	vld [tilespmem:s16+$0x2750];
	[tilespmem:s2+$0x5000] =	vst v0  }
0xe3: {  	v62 =	vld [tilespmem:s16+$0x2760];
	[tilespmem:s2+$0x5010] =	vst v1  }
0xe4: {  	p3 =	por p2, p2;
	v63 =	vld [tilespmem:s16+$0x2770];
	[tilespmem:s2+$0x5020] =	vst v2  }
.Ltmp7:
0xe5: {  	[tilespmem:s2+$0x5030] =	vst v3;
	(pc) =	sbr.rel @p3 .LBB2_11-.Ltmp7, $4  }
0xe6: {  	[tilespmem:s2+$0x5040] =	vst v4  }
0xe7: {  	[tilespmem:s2+$0x5050] =	vst v61  }
0xe8: {  	[tilespmem:s2+$0x5060] =	vst v62  }
0xe9: {  	p2 =	por $0x0, $0x0;
	[tilespmem:s2+$0x5070] =	vst v63;
	s2 =	simm.s32 $0x8  }
.LBB2_12:
0xea: {  	s2 =	sshll.u32 s0, $0x5  }
0xeb: {  	s2 =	sand.u32 $0x3FFFFFE0, s2  }
0xec: {  	v0 =	vld [tilespmem:s2+$0x2780]  }
0xed: {  	v1 =	vld [tilespmem:s2+$0x2790]  }
0xee: {  	v2 =	vld [tilespmem:s2+$0x27A0]  }
0xef: {  	s31 =	sshll.u32 s0, $0x4;
	v3 =	vld [tilespmem:s2+$0x27B0]  }
0xf0: {  	s0 =	sand.u32 $0x3FFFFFF0, s31;
	v4 =	vld [tilespmem:s2+$0x27C0]  }
0xf1: {  	v61 =	vld [tilespmem:s2+$0x27D0];
	[tilespmem:s0+$0x5100] =	vst v0  }
0xf2: {  	v62 =	vld [tilespmem:s2+$0x27E0];
	[tilespmem:s0+$0x5110] =	vst v1  }
0xf3: {  	p2 =	por p1, p1;
	v63 =	vld [tilespmem:s2+$0x27F0];
	[tilespmem:s0+$0x5120] =	vst v2  }
.Ltmp8:
0xf4: {  	[tilespmem:s0+$0x5130] =	vst v3;
	(pc) =	sbr.rel @p2 .LBB2_12-.Ltmp8, $4  }
0xf5: {  	[tilespmem:s0+$0x5140] =	vst v4  }
0xf6: {  	[tilespmem:s0+$0x5150] =	vst v61  }
0xf7: {  	[tilespmem:s0+$0x5160] =	vst v62  }
0xf8: {  	p1 =	por $0x0, $0x0;
	[tilespmem:s0+$0x5170] =	vst v63;
	s0 =	simm.s32 $0x8  }
0xf9: {  	[bflag:$0x0] =	sbarrier.arrive $0xFFFF  }
0xfa: {  	s0 =	simm.s32 $0xA00;
	_ =	strace $0x9000004E  }
0xfb: {  	s2 =	simm.s32 $0x2900;
	s16 =	simm.s32 $0x5200;
	_ =	strace $0x8000004F  }
0xfc: {  	[tilespmem:s16], [sflag:$0x1] =	stream.indirect.gather [spmem:s3], $0x1, s2, s0, $0x2000b8;
	[tilespmem:$0xA100] =	vst v63  }
0xfd: {  	s28 =	simm.s32 $0x980;
	s30 =	simm.s32 $0x3300;
	s31 =	simm.s32 $0x5C00  }
0xfe: {  	[tilespmem:s31], [sflag:$0x3] =	stream.indirect.gather [spmem:s3], $0x1, s30, s28, $0x2000b8;
	[tilespmem:$0xA100] =	vst v63  }
.Ltmp9:
0xff: {  	_ = 	snop;
	(pc) =	sbr.rel .LBB2_15-.Ltmp9, $4  }
0x100: {  	s17 =	simm.s32 $0x5000;
	s28 =	simm.s32 $0x8C80  }
0x101: {  	[tilespmem:s28], [sflag:$0x5] =	stream.indirect.gather [spmem:s3], $0x1, s17, s18, $0x2000b8;
	[tilespmem:$0xA100] =	vst v63  }
0x102: {  	s30 =	simm.s32 $0x5100;
	s31 =	simm.s32 $0x8D80  }
0x103: {  	[tilespmem:s31], [sflag:$0x4] =	stream.indirect.gather [spmem:s1], $0x1, s30, s18, $0x2000b8;
	[tilespmem:$0xA100] =	vst v63  }
.LBB2_14:
0x104: {  	[bflag:$0x0] =	sbarrier.arrive $0xFFFF  }
0x105: {  	s0 =	simm.s32 $0xA00;
	_ =	strace $0x9000004E  }
0x106: {  	s2 =	simm.s32 $0x2900;
	s16 =	simm.s32 $0x5200;
	_ =	strace $0x8000004F  }
0x107: {  	[tilespmem:s16], [sflag:$0x1] =	stream.indirect.gather [spmem:s3], $0x1, s2, s0, $0x2000b8;
	[tilespmem:$0xA100] =	vst v63  }
0x108: {  	s28 =	simm.s32 $0x980;
	s30 =	simm.s32 $0x3300;
	s31 =	simm.s32 $0x5C00  }
0x109: {  	[tilespmem:s31], [sflag:$0x3] =	stream.indirect.gather [spmem:s3], $0x1, s30, s28, $0x2000b8;
	[tilespmem:$0xA100] =	vst v63  }
.LBB2_15:
0x10a: {  	_ =	swait.ge [sflag:s21], $0x1380  }
0x10b: {  	[sflag:s21] =	ssyncset.done $0x0  }
0x10c: {  	[sflag:s21] =	ssyncadd.s32 $0xFFFFEC80  }
0x10d: {  	_ =	swait.ge [sflag:s20], $0xA00  }
0x10e: {  	[sflag:s20] =	ssyncset.done $0x0  }
0x10f: {  	s16 =	simm.s32 $0x5220;
	[sflag:s20] =	ssyncadd.s32 $0xFFFFF600  }
0x110: {  	s0 =	simm.s32 $0x65A0;
	v5 =	vld [tilespmem:s16+$0x10]  }
0x111: {  	v6 =	vld [tilespmem:s0+$0x10]  }
0x112: {  	v2 =	vld [tilespmem:s0+$0xFFFFFFE0]  }
0x113: {  	v0 =	vld [tilespmem:s16+$0xFFFFFFF0]  }
0x114: {  	v4 =	vld [tilespmem:s0+$0xFFFFFFF0]  }
0x115: {  	v1 =	vld [tilespmem:s16+$0x0]  }
0x116: {  	v3 =	vld [tilespmem:s0+$0x0];
	v6 =	vmul.f32 v6, v5  }
0x117: {  	s2 =	simm.s32 $0x7920;
	s28 =	simm.s32 $0x0;
	v5 =	vld [tilespmem:s16+$0xFFFFFFE0];
	s16 =	simm.s32 $0x5260  }
.LBB2_16:
0x118: {  	v7 =	vld [tilespmem:s16+$0x10];
	[tilespmem:s2+$0x10] =	vst v6;
	s0 =	sadd.s32 $0x40, s0  }
0x119: {  	s28 =	sadd.s32 $0x4, s28;
	v6 =	vld [tilespmem:s0+$0x10];
	v4 =	vmul.f32 v4, v0  }
0x11a: {  	p1 =	slt.u32 s28, $0x9C;
	v8 =	vld [tilespmem:s0+$0xFFFFFFE0]  }
.Ltmp10:
0x11b: {  	v0 =	vld [tilespmem:s16+$0xFFFFFFF0];
	[tilespmem:s2+$0xFFFFFFF0] =	vst v4;
	v3 =	vmul.f32 v3, v1;
	(pc) =	sbr.rel @p1 .LBB2_16-.Ltmp10, $4  }
0x11c: {  	v4 =	vld [tilespmem:s0+$0xFFFFFFF0];
	v9 =	vmul.f32 v2, v5  }
0x11d: {  	v1 =	vld [tilespmem:s16+$0x0];
	[tilespmem:s2+$0x0] =	vst v3  }
0x11e: {  	v3 =	vld [tilespmem:s0+$0x0];
	v6 =	vmul.f32 v6, v7;
	[tilespmem:s2+$0xFFFFFFE0] =	vst v9  }
0x11f: {  	s2 =	sadd.s32 $0x40, s2;
	v5 =	vld [tilespmem:s16+$0xFFFFFFE0];
	s16 =	sadd.s32 $0x40, s16;
	v2 =	vmov v8  }
0x120: {  	_ =	sdelay $0x1  }
0x121: {  	v0 =	vmul.f32 v4, v0  }
0x122: {  	[tilespmem:s2+$0x10] =	vst v6;
	v1 =	vmul.f32 v3, v1  }
0x123: {  	[tilespmem:s2+$0xFFFFFFF0] =	vst v0;
	v0 =	vmul.f32 v2, v5  }
0x124: {  	[tilespmem:s2+$0x0] =	vst v1  }
0x125: {  	s0 =	simm.s32 $0x0;
	[tilespmem:s2+$0xFFFFFFE0] =	vst v0  }
0x126: {  	[hbm4b:s12+s0] =	stream.linear.scatter [tilespmem:s23], [sflag:$0x2], $0xA00, $0x200038;
	[tilespmem:$0xA100] =	vst v63  }
0x127: {  	_ =	swait.ge [sflag:s22], $0x980  }
0x128: {  	[sflag:s22] =	ssyncset.done $0x0  }
0x129: {  	s17 =	simm.s32 $0x5C30;
	[sflag:s22] =	ssyncadd.s32 $0xFFFFF680  }
0x12a: {  	s16 =	simm.s32 $0x6FB0;
	v0 =	vld [tilespmem:s17+$0x0]  }
0x12b: {  	s31 =	sand.u32 $0xFC0, s0;
	v1 =	vld [tilespmem:s16+$0x0]  }
0x12c: {  	v2 =	vld [tilespmem:s31+$0x5C00]  }
0x12d: {  	v3 =	vld [tilespmem:s31+$0x6F80]  }
0x12e: {  	v4 =	vld [tilespmem:s17+$0xFFFFFFE0]  }
0x12f: {  	v6 =	vld [tilespmem:s16+$0xFFFFFFE0]  }
0x130: {  	v7 =	vld [tilespmem:s17+$0xFFFFFFF0]  }
0x131: {  	s28 =	simm.s32 $0x6FF0;
	s2 =	simm.s32 $0x40;
	v8 =	vld [tilespmem:s16+$0xFFFFFFF0]  }
0x132: {  	s0 =	sand.u32 $0xFC0, s2;
	v10 =	vld [tilespmem:s28+$0x0]  }
0x133: {  	s17 =	simm.s32 $0x5C70;
	v5 =	vld [tilespmem:s0+$0x6F80]  }
0x134: {  	v9 =	vld [tilespmem:s17+$0x0];
	v1 =	vmul.f32 v1, v0  }
0x135: {  	s30 =	simm.s32 $0x8330;
	v0 =	vld [tilespmem:s0+$0x5C00];
	v2 =	vmul.f32 v3, v2  }
0x136: {  	v4 =	vmul.f32 v6, v4;
	v3 =	vld [tilespmem:s28+$0xFFFFFFE0];
	[tilespmem:s30+$0x0] =	vst v1  }
0x137: {  	v6 =	vmul.f32 v8, v7;
	v1 =	vld [tilespmem:s17+$0xFFFFFFE0];
	[tilespmem:s31+$0x8300] =	vst v2  }
0x138: {  	[tilespmem:s30+$0xFFFFFFE0] =	vst v4;
	v2 =	vld [tilespmem:s17+$0xFFFFFFF0]  }
0x139: {  	s16 =	simm.s32 $0x5CB0;
	s31 =	simm.s32 $0x4;
	[tilespmem:s30+$0xFFFFFFF0] =	vst v6;
	v4 =	vld [tilespmem:s28+$0xFFFFFFF0];
	v6 =	vmul.f32 v10, v9  }
.LBB2_18:
0x13a: {  	v7 =	vld [tilespmem:s16+$0x0];
	v5 =	vmul.f32 v5, v0;
	s2 =	sadd.s32 $0x40, s2;
	s28 =	sadd.s32 $0x40, s28;
	s30 =	sadd.s32 $0x40, s30  }
0x13b: {  	s31 =	sadd.s32 $0x4, s31;
	s17 =	sand.u32 $0xFC0, s2;
	v8 =	vld [tilespmem:s28+$0x0];
	[tilespmem:s30+$0x0] =	vst v6  }
0x13c: {  	p1 =	slt.u32 s31, $0x94;
	v0 =	vld [tilespmem:s17+$0x5C00];
	[tilespmem:s0+$0x8300] =	vst v5;
	v3 =	vmul.f32 v3, v1;
	s0 =	smov.u32 s17  }
.Ltmp11:
0x13d: {  	v5 =	vld [tilespmem:s0+$0x6F80];
	(pc) =	sbr.rel @p1 .LBB2_18-.Ltmp11, $4  }
0x13e: {  	v1 =	vld [tilespmem:s16+$0xFFFFFFE0];
	[tilespmem:s30+$0xFFFFFFE0] =	vst v3;
	v4 =	vmul.f32 v4, v2  }
0x13f: {  	v3 =	vld [tilespmem:s28+$0xFFFFFFE0]  }
0x140: {  	v2 =	vld [tilespmem:s16+$0xFFFFFFF0];
	[tilespmem:s30+$0xFFFFFFF0] =	vst v4  }
0x141: {  	v6 =	vmul.f32 v8, v7;
	s16 =	sadd.s32 $0x40, s16;
	v4 =	vld [tilespmem:s28+$0xFFFFFFF0]  }
0x142: {  	_ =	sdelay $0x1  }
0x143: {  	v0 =	vmul.f32 v5, v0;
	s2 =	sadd.s32 $0x40, s30  }
0x144: {  	[tilespmem:s2+$0x0] =	vst v6;
	v1 =	vmul.f32 v3, v1  }
0x145: {  	[tilespmem:s0+$0x8300] =	vst v0;
	v63 =	vmul.f32 v4, v2  }
0x146: {  	[tilespmem:s2+$0xFFFFFFE0] =	vst v1  }
0x147: {  	[tilespmem:s2+$0xFFFFFFF0] =	vst v63  }
0x148: {  	[hbm4b:s13+s4] =	stream.linear.scatter [tilespmem:s24], [sflag:$0x6], $0x980, $0x200038;
	[tilespmem:$0xA100] =	vst v63  }
0x149: {  	_ =	swait.ge [sflag:s19], $0x980  }
.Ltmp12:
0x14a: {  	[sflag:s19] =	ssyncset.done $0x0;
	(pc) =	sbr.rel @p0 .LBB2_23-.Ltmp12, $4  }
0x14b: {  	[sflag:s19] =	ssyncadd.s32 $0xFFFFF680  }
0x14c: {  	_ =	swait.ge [sflag:s21], $0xA00  }
0x14d: {  	[sflag:s21] =	ssyncset.done $0x0  }
0x14e: {  	[sflag:s21] =	ssyncadd.s32 $0xFFFFF600  }
0x14f: {  	_ =	swait.ge [sflag:s29], $0x100  }
0x150: {  	[sflag:s29] =	ssyncset.done $0x0  }
0x151: {  	[sflag:s29] =	ssyncadd.s32 $0xFFFFFF00  }
0x152: {  	_ =	swait.ge [sflag:s26], $0x100  }
0x153: {  	[sflag:s26] =	ssyncset.done $0x0  }
0x154: {  	s16 =	simm.s32 $0x8CA0;
	[sflag:s26] =	ssyncadd.s32 $0xFFFFFF00  }
0x155: {  	s0 =	simm.s32 $0x8DA0;
	v5 =	vld [tilespmem:s16+$0x10]  }
0x156: {  	v6 =	vld [tilespmem:s0+$0x10]  }
0x157: {  	v2 =	vld [tilespmem:s0+$0xFFFFFFE0]  }
0x158: {  	v0 =	vld [tilespmem:s16+$0xFFFFFFF0]  }
0x159: {  	v4 =	vld [tilespmem:s0+$0xFFFFFFF0]  }
0x15a: {  	v1 =	vld [tilespmem:s16+$0x0]  }
0x15b: {  	v3 =	vld [tilespmem:s0+$0x0];
	v6 =	vmul.f32 v6, v5  }
0x15c: {  	s2 =	simm.s32 $0x8EA0;
	s28 =	simm.s32 $0x0;
	v5 =	vld [tilespmem:s16+$0xFFFFFFE0];
	s16 =	simm.s32 $0x8CE0  }
.LBB2_21:
0x15d: {  	v7 =	vld [tilespmem:s16+$0x10];
	[tilespmem:s2+$0x10] =	vst v6;
	s0 =	sadd.s32 $0x40, s0  }
0x15e: {  	s28 =	sadd.s32 $0x4, s28;
	v4 =	vmul.f32 v4, v0;
	v6 =	vld [tilespmem:s0+$0x10]  }
0x15f: {  	p1 =	slt.u32 s28, $0xC;
	v8 =	vld [tilespmem:s0+$0xFFFFFFE0]  }
.Ltmp13:
0x160: {  	v3 =	vmul.f32 v3, v1;
	v0 =	vld [tilespmem:s16+$0xFFFFFFF0];
	[tilespmem:s2+$0xFFFFFFF0] =	vst v4;
	(pc) =	sbr.rel @p1 .LBB2_21-.Ltmp13, $4  }
0x161: {  	v9 =	vmul.f32 v2, v5;
	v4 =	vld [tilespmem:s0+$0xFFFFFFF0]  }
0x162: {  	v1 =	vld [tilespmem:s16+$0x0];
	[tilespmem:s2+$0x0] =	vst v3  }
0x163: {  	v3 =	vld [tilespmem:s0+$0x0];
	v6 =	vmul.f32 v6, v7;
	[tilespmem:s2+$0xFFFFFFE0] =	vst v9  }
0x164: {  	s2 =	sadd.s32 $0x40, s2;
	v5 =	vld [tilespmem:s16+$0xFFFFFFE0];
	s16 =	sadd.s32 $0x40, s16;
	v2 =	vmov v8  }
.Ltmp14:
0x165: {  	_ = 	snop;
	(pc) =	sbr.rel .LBB2_22-.Ltmp14, $1  }
0x166: {  	_ =	sdelay $0x3  }
.LBB2_24:
0x167: {  	_ =	sfence.sel $0x180000  }
0x168: {  	[bflag:$0x0] =	sbarrier.arrive $0xFFFF  }
0x169: {  	_ =	strace $0x9000004D  }
0x16a: {  	s0 =	stileid.u32;
	[bflag:$0x2] =	sbarrier.arrive $0xFFFF  }
0x16b: {  	p0 =	sne.s32 s0, $0x0;
	s0 =	rddreg [dreg:$0x5]  }
0x16c: {  	s0 =	sadd.s32 @!p0 $0x100000, s0  }
0x16d: {  	[sflag:s0] =	ssyncadd.tile.s32 @!p0 $0x1;
	_ =	shalt  }
.Lfunc_end2:
_tile_overlayer_lowered:
.L_overlay_start_2:
0x16e: {  	(tag) =	ssettag $0x2  }
0x16f: {  	s0 =	rddreg [dreg:$0x0];
	s2 =	stileid.u32  }
0x170: {  	s1 =	rddreg [dreg:$0x1];
	p0 =	sne.s32 s2, $0x0  }
0x171: {  	s3 =	rddreg [dreg:$0x2];
	[bflag:$0x3] =	sbarrier.arrive $0xFFFF;
	s2 =	simm.s32 @!p0 $0x1C06  }
0x172: {  	[timem:s3], [sflag:s2] =	dma.local @!p0 [hbm:s0], s1  }
0x173: {  	s0 =	simm.s32 @!p0 $0x6  }
0x174: {  	_ =	swait.ge @!p0 [sflag:s0], s1  }
0x175: {  	s1 =	ssub.s32 @!p0 $0x0, s1;
	[sflag:s0] =	ssyncset.done @!p0 $0x0  }
0x176: {  	[sflag:s0] =	ssyncadd.s32 @!p0 s1  }
0x177: {  	[bflag:$0x3] =	sbarrier.arrive $0xFFFF  }
0x178: {  	_ =	shalt  }

</sc_bundles>
